<compile_context>
chip_gen: v7x
topology: tpu7x:2x2x1
jax: 0.10.2.dev20260603
libtpu: 0.0.44.dev20260713+nightly
codegen_flags: <defaults>
</compile_context>

<pallas_src>
import functools

import jax
import jax.numpy as jnp
from jax import lax
from jax.experimental import pallas as pl
from jax.experimental.pallas import tpu as pltpu
from jax.experimental.pallas import tpu_sc as plsc

N = 100000
D = 128
G = 512
NC = 2
NS = 16
NW = NC * NS
CH = 128
NCHUNKS = -(-N // CH)
TAIL = N - (NCHUNKS - 1) * CH
MAXCH = -(-NCHUNKS // NW)
GPS = G // NS
NBUF = 4
LASTW = (NCHUNKS - 1) // MAXCH


def _sc_body(emb, idxh, zeros, out, rows_v, idx_v, acc, gsem, ssem, isem):
    c = lax.axis_index("c")
    s = lax.axis_index("s")
    w = c * NS + s
    start = w * MAXCH
    nch = jnp.clip(NCHUNKS - start, 0, MAXCH)
    nfull = nch - jnp.where(w == LASTW, 1, 0)

    def gather(k):
        b = lax.rem(k, NBUF)
        pltpu.async_copy(emb.at[pl.ds((start + k) * CH, CH)], rows_v.at[b],
                         gsem.at[b])

    pltpu.async_copy(idxh.at[w], idx_v, isem)
    pltpu.sync_copy(zeros, rows_v.at[0])
    pltpu.sync_copy(rows_v.at[0, pl.ds(0, GPS)], acc.at[pl.ds(s * GPS, GPS)])

    @pl.when(w != LASTW)
    def _():
        gather(0)

    for k0 in range(1, NBUF - 1):
        @pl.when(k0 < nfull)
        def _():
            gather(k0)

    pltpu.make_async_copy(idxh.at[w], idx_v, isem).wait()
    plsc.subcore_barrier()

    @pl.when(w == LASTW)
    def _():
        rb = (NCHUNKS - 1) * CH
        pltpu.sync_copy(emb.at[pl.ds(rb, TAIL)], rows_v.at[0, pl.ds(0, TAIL)])
        pltpu.sync_copy(rows_v.at[0], acc.at[idx_v.at[nch - 1]], add=True)
        gather(0)

    def wait_scatter(b):
        pltpu.make_async_copy(rows_v.at[b], acc.at[idx_v.at[0]],
                              ssem.at[b]).wait()

    def step(k, carry):
        b = lax.rem(k, NBUF)

        @pl.when(k + (NBUF - 1) < nfull)
        def _():
            @pl.when(k >= 1)
            def _():
                wait_scatter(lax.rem(k + NBUF - 1, NBUF))
            gather(k + (NBUF - 1))

        pltpu.make_async_copy(emb.at[pl.ds(0, CH)], rows_v.at[b],
                              gsem.at[b]).wait()
        pltpu.async_copy(rows_v.at[b], acc.at[idx_v.at[k]], ssem.at[b],
                         add=True)
        return carry

    lax.fori_loop(0, nfull, step, 0)

    def drain(j, carry):
        wait_scatter(lax.rem(j, NBUF))
        return carry

    lax.fori_loop(jnp.maximum(nfull - NBUF, 0), nfull, drain, 0)
    plsc.subcore_barrier()
    pltpu.sync_copy(acc.at[pl.ds(s * GPS, GPS)], out.at[c, pl.ds(s * GPS, GPS)])


_sc_segsum = functools.partial(
    pl.kernel,
    out_type=jax.ShapeDtypeStruct((NC, G, D), jnp.float32),
    mesh=plsc.VectorSubcoreMesh(core_axis_name="c", subcore_axis_name="s"),
    name="sc_segment_sum",
    scratch_types=[
        pltpu.VMEM((NBUF, CH, D), jnp.float32),
        pltpu.VMEM((MAXCH, CH), jnp.int32),
        pltpu.VMEM_SHARED((G, D), jnp.float32),
        pltpu.SemaphoreType.DMA((NBUF,)),
        pltpu.SemaphoreType.DMA((NBUF,)),
        pltpu.SemaphoreType.DMA,
    ],
)(_sc_body)


def _mlp_body(p_ref, w1_ref, b1_ref, w2_ref, b2_ref, o_ref):
    g = p_ref[0] + p_ref[1]
    h = lax.dot_general(g, w1_ref[...], (((1,), (1,)), ((), ())),
                        preferred_element_type=jnp.float32)
    h = jnp.maximum(h + b1_ref[...], 0.0)
    o_ref[...] = lax.dot_general(h, w2_ref[...], (((1,), (1,)), ((), ())),
                                 preferred_element_type=jnp.float32) + b2_ref[...]


_tc_mlp = pl.pallas_call(
    _mlp_body,
    out_shape=jax.ShapeDtypeStruct((G, D), jnp.float32),
)


def kernel(node_embeddings, batch_indices, W1, b1, W2, b2):
    idx = batch_indices.astype(jnp.int32)
    idx3 = jnp.pad(idx, (0, NW * MAXCH * CH - N)).reshape(NW, MAXCH, CH)
    zeros = jnp.zeros((CH, D), jnp.float32)
    partials = _sc_segsum(node_embeddings, idx3, zeros)
    return _tc_mlp(partials, W1, b1.reshape(1, D), W2, b2.reshape(1, D))

# --- scband reference (transcript-rebuilt; emitter-appended) ---
"""Pipeline reference for scband-sum-readout-55705725829533 (READ-ONLY COPY).

The authoritative reference and input builder live on the scoring server;
editing this copy changes nothing except your own understanding.
"""

import jax, jax.numpy as jnp
import numpy as np

N = 100000
D = 128
G = 512

def setup_inputs(seed: int = 0) -> dict:
    key = jax.random.key(seed)
    k1, k2, k3, k4, k5, k6 = jax.random.split(key, 6)
    node_embeddings = jax.random.normal(k1, (N, D), dtype=jnp.float32)
    batch_indices = jnp.sort(jax.random.randint(k2, (N,), 0, G, dtype=jnp.int64))
    s = 1.0 / np.sqrt(D)
    W1 = jax.random.uniform(k3, (D, D), minval=-s, maxval=s, dtype=jnp.float32)
    b1 = jax.random.uniform(k4, (D,), minval=-s, maxval=s, dtype=jnp.float32)
    W2 = jax.random.uniform(k5, (D, D), minval=-s, maxval=s, dtype=jnp.float32)
    b2 = jax.random.uniform(k6, (D,), minval=-s, maxval=s, dtype=jnp.float32)
    return {"node_embeddings": node_embeddings, "batch_indices": batch_indices,
            "W1": W1, "b1": b1, "W2": W2, "b2": b2}

def reference(node_embeddings, batch_indices, W1, b1, W2, b2):
    # scatter_sum: sum node embeddings into per-graph embeddings
    n_graphs = G
    graph_embeddings = jax.ops.segment_sum(node_embeddings, batch_indices, num_segments=n_graphs)
    # MLP: Linear -> ReLU -> Linear (torch Linear: y = x @ W.T + b)
    h = jnp.maximum(graph_embeddings @ W1.T + b1, 0.0)
    out = h @ W2.T + b2
    return out

if __name__ == "__main__":
    import jax
    _d = setup_inputs()
    print(jax.jit(kernel)(*tuple(_d.values())))

</pallas_src>

<mosaic_0001>
#map = affine_map<(d0, d1) -> (0, 0)>
#map1 = affine_map<(d0, d1) -> (0, 0, 0)>
module attributes {stable_mosaic.version = 14 : i64} {
  func.func @sc_segment_sum(%arg0: i32, %arg1: i32, %arg2: memref<100000x128xf32, #tpu.memory_space<hbm>>, %arg3: memref<32x25x128xi32, #tpu.memory_space<hbm>>, %arg4: memref<128x128xf32, #tpu.memory_space<hbm>>, %arg5: memref<2x512x128xf32, #tpu.memory_space<hbm>>, %arg6: memref<4x128x128xf32, #tpu.memory_space<vmem>>, %arg7: memref<25x128xi32, #tpu.memory_space<vmem>>, %arg8: memref<512x128xf32, #tpu.memory_space<vmem_shared>>, %arg9: memref<4x!tpu.dma_semaphore, #tpu.memory_space<semaphore_mem>>, %arg10: memref<4x!tpu.dma_semaphore, #tpu.memory_space<semaphore_mem>>, %arg11: memref<!tpu.dma_semaphore, #tpu.memory_space<semaphore_mem>>) attributes {dimension_semantics = [#tpu.dimension_semantics<core_parallel>, #tpu.dimension_semantics<subcore_parallel>], iteration_bounds = array<i64: 2, 16>, scalar_prefetch = 0 : i64, scratch_operands = 6 : i64, tpu.core_type = #tpu.core_type<sc_vector_subcore>, window_params = [{transform_indices = #map}, {transform_indices = #map1}, {transform_indices = #map}, {transform_indices = #map1}]} {
    %mul3A = arith.constant 16 : i32
    %mul3A_0 = arith.muli %arg0, %mul3A : i32
    %add3A = arith.addi %mul3A_0, %arg1 : i32
    %mul3A_1 = arith.constant 25 : i32
    %mul3A_2 = arith.muli %add3A, %mul3A_1 : i32
    %sub3A = arith.constant 782 : i32
    %sub3A_3 = arith.subi %sub3A, %mul3A_2 : i32
    %jit3A = arith.constant 0 : i32
    %jit3A_4 = arith.constant 25 : i32
    %max3A = arith.maxsi %jit3A, %sub3A_3 : i32
    %min3A = arith.minsi %jit3A_4, %max3A : i32
    %eq3A = arith.constant 31 : i32
    %eq3A_5 = arith.cmpi eq, %add3A, %eq3A : i32
    %jit3A_6 = arith.constant 1 : i32
    %jit3A_7 = arith.constant 0 : i32
    %select_n3A = arith.select %eq3A_5, %jit3A_6, %jit3A_7 : i32
    %sub3A_8 = arith.subi %min3A, %select_n3A : i32
    %dma_start3A = arith.constant 0 : i32
    %dma_start3A_9 = arith.constant 0 : i32
    %dma_start3A_10 = tpu.memref_slice %arg3[%add3A, %dma_start3A, %dma_start3A_9] : memref<32x25x128xi32, #tpu.memory_space<hbm>> -> memref<1x25x128xi32, #tpu.memory_space<hbm>>
    %dma_start3A_11 = tpu.memref_squeeze %dma_start3A_10 : memref<1x25x128xi32, #tpu.memory_space<hbm>> -> memref<25x128xi32, #tpu.memory_space<hbm>>
    %dma_start3A_12 = arith.constant 0 : i32
    %dma_start3A_13 = arith.constant 0 : i32
    %dma_start3A_14 = tpu.memref_slice %arg3[%add3A, %dma_start3A_12, %dma_start3A_13] : memref<32x25x128xi32, #tpu.memory_space<hbm>> -> memref<1x25x128xi32, #tpu.memory_space<hbm>>
    %dma_start3A_15 = tpu.memref_squeeze %dma_start3A_14 : memref<1x25x128xi32, #tpu.memory_space<hbm>> -> memref<25x128xi32, #tpu.memory_space<hbm>>
    tpu.enqueue_dma source(%dma_start3A_15 : memref<25x128xi32, #tpu.memory_space<hbm>>) target(%arg7 : memref<25x128xi32, #tpu.memory_space<vmem>>) target_semaphore(%arg11 : memref<!tpu.dma_semaphore, #tpu.memory_space<semaphore_mem>>)
    %run_scoped3A = arith.constant 0 : i32
    "tpu.region"() ({
      %run_scoped3A_69 = tpu.sem_alloc : memref<!tpu.dma_semaphore, #tpu.memory_space<semaphore_mem>>
      %dma_start3A_70 = arith.constant 0 : i32
      %dma_start3A_71 = arith.constant 0 : i32
      %dma_start3A_72 = tpu.memref_slice %arg6[%run_scoped3A, %dma_start3A_70, %dma_start3A_71] : memref<4x128x128xf32, #tpu.memory_space<vmem>> -> memref<1x128x128xf32, #tpu.memory_space<vmem>>
      %dma_start3A_73 = tpu.memref_squeeze %dma_start3A_72 : memref<1x128x128xf32, #tpu.memory_space<vmem>> -> memref<128x128xf32, #tpu.memory_space<vmem>>
      %dma_start3A_74 = arith.constant 0 : i32
      %dma_start3A_75 = arith.constant 0 : i32
      %dma_start3A_76 = tpu.memref_slice %arg6[%run_scoped3A, %dma_start3A_74, %dma_start3A_75] : memref<4x128x128xf32, #tpu.memory_space<vmem>> -> memref<1x128x128xf32, #tpu.memory_space<vmem>>
      %dma_start3A_77 = tpu.memref_squeeze %dma_start3A_76 : memref<1x128x128xf32, #tpu.memory_space<vmem>> -> memref<128x128xf32, #tpu.memory_space<vmem>>
      tpu.enqueue_dma source(%arg4 : memref<128x128xf32, #tpu.memory_space<hbm>>) target(%dma_start3A_77 : memref<128x128xf32, #tpu.memory_space<vmem>>) target_semaphore(%run_scoped3A_69 : memref<!tpu.dma_semaphore, #tpu.memory_space<semaphore_mem>>)
      %dma_wait3A_78 = arith.constant 0 : i32
      %dma_wait3A_79 = arith.constant 0 : i32
      %dma_wait3A_80 = tpu.memref_slice %arg6[%run_scoped3A, %dma_wait3A_78, %dma_wait3A_79] : memref<4x128x128xf32, #tpu.memory_space<vmem>> -> memref<1x128x128xf32, #tpu.memory_space<vmem>>
      %dma_wait3A_81 = tpu.memref_squeeze %dma_wait3A_80 : memref<1x128x128xf32, #tpu.memory_space<vmem>> -> memref<128x128xf32, #tpu.memory_space<vmem>>
      %dma_wait3A_82 = arith.constant 0 : i32
      %dma_wait3A_83 = arith.constant 0 : i32
      %dma_wait3A_84 = tpu.memref_slice %arg6[%run_scoped3A, %dma_wait3A_82, %dma_wait3A_83] : memref<4x128x128xf32, #tpu.memory_space<vmem>> -> memref<1x128x128xf32, #tpu.memory_space<vmem>>
      %dma_wait3A_85 = tpu.memref_squeeze %dma_wait3A_84 : memref<1x128x128xf32, #tpu.memory_space<vmem>> -> memref<128x128xf32, #tpu.memory_space<vmem>>
      tpu.wait_dma2 semaphore(%run_scoped3A_69 : memref<!tpu.dma_semaphore, #tpu.memory_space<semaphore_mem>>) src(%arg4 : memref<128x128xf32, #tpu.memory_space<hbm>>) dst(%dma_wait3A_85 : memref<128x128xf32, #tpu.memory_space<vmem>>)
      tpu.yield
    }) : () -> ()
    %mul3A_16 = arith.constant 32 : i32
    %mul3A_17 = arith.muli %arg1, %mul3A_16 : i32
    %run_scoped3A_18 = arith.constant 0 : i32
    "tpu.region"() ({
      %run_scoped3A_69 = tpu.sem_alloc : memref<!tpu.dma_semaphore, #tpu.memory_space<semaphore_mem>>
      %dma_start3A_70 = arith.constant 0 : i32
      %dma_start3A_71 = arith.constant 0 : i32
      %dma_start3A_72 = tpu.memref_slice %arg6[%run_scoped3A_18, %dma_start3A_70, %dma_start3A_71] : memref<4x128x128xf32, #tpu.memory_space<vmem>> -> memref<1x32x128xf32, #tpu.memory_space<vmem>>
      %dma_start3A_73 = tpu.memref_squeeze %dma_start3A_72 : memref<1x32x128xf32, #tpu.memory_space<vmem>> -> memref<32x128xf32, #tpu.memory_space<vmem>>
      %dma_start3A_74 = arith.constant 0 : i32
      %dma_start3A_75 = tpu.memref_slice %arg8[%mul3A_17, %dma_start3A_74] : memref<512x128xf32, #tpu.memory_space<vmem_shared>> -> memref<32x128xf32, #tpu.memory_space<vmem_shared>>
      %dma_start3A_76 = arith.constant 0 : i32
      %dma_start3A_77 = tpu.memref_slice %arg8[%mul3A_17, %dma_start3A_76] : memref<512x128xf32, #tpu.memory_space<vmem_shared>> -> memref<32x128xf32, #tpu.memory_space<vmem_shared>>
      %dma_start3A_78 = arith.constant 0 : i32
      %dma_start3A_79 = arith.constant 0 : i32
      %dma_start3A_80 = tpu.memref_slice %arg6[%run_scoped3A_18, %dma_start3A_78, %dma_start3A_79] : memref<4x128x128xf32, #tpu.memory_space<vmem>> -> memref<1x32x128xf32, #tpu.memory_space<vmem>>
      %dma_start3A_81 = tpu.memref_squeeze %dma_start3A_80 : memref<1x32x128xf32, #tpu.memory_space<vmem>> -> memref<32x128xf32, #tpu.memory_space<vmem>>
      tpu.enqueue_dma source(%dma_start3A_81 : memref<32x128xf32, #tpu.memory_space<vmem>>) target(%dma_start3A_77 : memref<32x128xf32, #tpu.memory_space<vmem_shared>>) target_semaphore(%run_scoped3A_69 : memref<!tpu.dma_semaphore, #tpu.memory_space<semaphore_mem>>)
      %dma_wait3A_82 = arith.constant 0 : i32
      %dma_wait3A_83 = arith.constant 0 : i32
      %dma_wait3A_84 = tpu.memref_slice %arg6[%run_scoped3A_18, %dma_wait3A_82, %dma_wait3A_83] : memref<4x128x128xf32, #tpu.memory_space<vmem>> -> memref<1x32x128xf32, #tpu.memory_space<vmem>>
      %dma_wait3A_85 = tpu.memref_squeeze %dma_wait3A_84 : memref<1x32x128xf32, #tpu.memory_space<vmem>> -> memref<32x128xf32, #tpu.memory_space<vmem>>
      %dma_wait3A_86 = arith.constant 0 : i32
      %dma_wait3A_87 = tpu.memref_slice %arg8[%mul3A_17, %dma_wait3A_86] : memref<512x128xf32, #tpu.memory_space<vmem_shared>> -> memref<32x128xf32, #tpu.memory_space<vmem_shared>>
      %dma_wait3A_88 = arith.constant 0 : i32
      %dma_wait3A_89 = tpu.memref_slice %arg8[%mul3A_17, %dma_wait3A_88] : memref<512x128xf32, #tpu.memory_space<vmem_shared>> -> memref<32x128xf32, #tpu.memory_space<vmem_shared>>
      %dma_wait3A_90 = arith.constant 0 : i32
      %dma_wait3A_91 = arith.constant 0 : i32
      %dma_wait3A_92 = tpu.memref_slice %arg6[%run_scoped3A_18, %dma_wait3A_90, %dma_wait3A_91] : memref<4x128x128xf32, #tpu.memory_space<vmem>> -> memref<1x32x128xf32, #tpu.memory_space<vmem>>
      %dma_wait3A_93 = tpu.memref_squeeze %dma_wait3A_92 : memref<1x32x128xf32, #tpu.memory_space<vmem>> -> memref<32x128xf32, #tpu.memory_space<vmem>>
      tpu.wait_dma2 semaphore(%run_scoped3A_69 : memref<!tpu.dma_semaphore, #tpu.memory_space<semaphore_mem>>) src(%dma_wait3A_93 : memref<32x128xf32, #tpu.memory_space<vmem>>) dst(%dma_wait3A_89 : memref<32x128xf32, #tpu.memory_space<vmem_shared>>)
      tpu.yield
    }) : () -> ()
    %ne3A = arith.constant 31 : i32
    %ne3A_19 = arith.cmpi ne, %add3A, %ne3A : i32
    %convert_element_type3A = arith.extui %ne3A_19 : i1 to i32
    %cond3A = arith.constant 0 : i32
    %cond3A_20 = arith.cmpi ne, %convert_element_type3A, %cond3A : i32
    scf.if %cond3A_20 {
      %rem3A = arith.constant 0 : i32
      %rem3A_69 = arith.constant 4 : i32
      %rem3A_70 = arith.remsi %rem3A, %rem3A_69 : i32
      %add3A_71 = arith.constant 0 : i32
      %add3A_72 = arith.addi %mul3A_2, %add3A_71 : i32
      %mul3A_73 = arith.constant 128 : i32
      %mul3A_74 = arith.muli %add3A_72, %mul3A_73 : i32
      %dma_start3A_75 = arith.constant 0 : i32
      %dma_start3A_76 = arith.constant 0 : i32
      %dma_start3A_77 = tpu.memref_slice %arg6[%rem3A_70, %dma_start3A_75, %dma_start3A_76] : memref<4x128x128xf32, #tpu.memory_space<vmem>> -> memref<1x128x128xf32, #tpu.memory_space<vmem>>
      %dma_start3A_78 = tpu.memref_squeeze %dma_start3A_77 : memref<1x128x128xf32, #tpu.memory_space<vmem>> -> memref<128x128xf32, #tpu.memory_space<vmem>>
      %dma_start3A_79 = arith.constant 0 : i32
      %dma_start3A_80 = tpu.memref_slice %arg2[%mul3A_74, %dma_start3A_79] : memref<100000x128xf32, #tpu.memory_space<hbm>> -> memref<128x128xf32, #tpu.memory_space<hbm>>
      %dma_start3A_81 = tpu.memref_slice %arg9[%rem3A_70] : memref<4x!tpu.dma_semaphore, #tpu.memory_space<semaphore_mem>> -> memref<1x!tpu.dma_semaphore, #tpu.memory_space<semaphore_mem>>
      %dma_start3A_82 = tpu.memref_squeeze %dma_start3A_81 : memref<1x!tpu.dma_semaphore, #tpu.memory_space<semaphore_mem>> -> memref<!tpu.dma_semaphore, #tpu.memory_space<semaphore_mem>>
      %dma_start3A_83 = arith.constant 0 : i32
      %dma_start3A_84 = arith.constant 0 : i32
      %dma_start3A_85 = tpu.memref_slice %arg6[%rem3A_70, %dma_start3A_83, %dma_start3A_84] : memref<4x128x128xf32, #tpu.memory_space<vmem>> -> memref<1x128x128xf32, #tpu.memory_space<vmem>>
      %dma_start3A_86 = tpu.memref_squeeze %dma_start3A_85 : memref<1x128x128xf32, #tpu.memory_space<vmem>> -> memref<128x128xf32, #tpu.memory_space<vmem>>
      %dma_start3A_87 = arith.constant 0 : i32
      %dma_start3A_88 = tpu.memref_slice %arg2[%mul3A_74, %dma_start3A_87] : memref<100000x128xf32, #tpu.memory_space<hbm>> -> memref<128x128xf32, #tpu.memory_space<hbm>>
      tpu.enqueue_dma source(%dma_start3A_88 : memref<128x128xf32, #tpu.memory_space<hbm>>) target(%dma_start3A_86 : memref<128x128xf32, #tpu.memory_space<vmem>>) target_semaphore(%dma_start3A_82 : memref<!tpu.dma_semaphore, #tpu.memory_space<semaphore_mem>>)
    } else {
    }
    %gt3A = arith.constant 1 : i32
    %gt3A_21 = arith.cmpi sgt, %sub3A_8, %gt3A : i32
    %convert_element_type3A_22 = arith.extui %gt3A_21 : i1 to i32
    %cond3A_23 = arith.constant 0 : i32
    %cond3A_24 = arith.cmpi ne, %convert_element_type3A_22, %cond3A_23 : i32
    scf.if %cond3A_24 {
      %rem3A = arith.constant 1 : i32
      %rem3A_69 = arith.constant 4 : i32
      %rem3A_70 = arith.remsi %rem3A, %rem3A_69 : i32
      %add3A_71 = arith.constant 1 : i32
      %add3A_72 = arith.addi %mul3A_2, %add3A_71 : i32
      %mul3A_73 = arith.constant 128 : i32
      %mul3A_74 = arith.muli %add3A_72, %mul3A_73 : i32
      %dma_start3A_75 = arith.constant 0 : i32
      %dma_start3A_76 = arith.constant 0 : i32
      %dma_start3A_77 = tpu.memref_slice %arg6[%rem3A_70, %dma_start3A_75, %dma_start3A_76] : memref<4x128x128xf32, #tpu.memory_space<vmem>> -> memref<1x128x128xf32, #tpu.memory_space<vmem>>
      %dma_start3A_78 = tpu.memref_squeeze %dma_start3A_77 : memref<1x128x128xf32, #tpu.memory_space<vmem>> -> memref<128x128xf32, #tpu.memory_space<vmem>>
      %dma_start3A_79 = arith.constant 0 : i32
      %dma_start3A_80 = tpu.memref_slice %arg2[%mul3A_74, %dma_start3A_79] : memref<100000x128xf32, #tpu.memory_space<hbm>> -> memref<128x128xf32, #tpu.memory_space<hbm>>
      %dma_start3A_81 = tpu.memref_slice %arg9[%rem3A_70] : memref<4x!tpu.dma_semaphore, #tpu.memory_space<semaphore_mem>> -> memref<1x!tpu.dma_semaphore, #tpu.memory_space<semaphore_mem>>
      %dma_start3A_82 = tpu.memref_squeeze %dma_start3A_81 : memref<1x!tpu.dma_semaphore, #tpu.memory_space<semaphore_mem>> -> memref<!tpu.dma_semaphore, #tpu.memory_space<semaphore_mem>>
      %dma_start3A_83 = arith.constant 0 : i32
      %dma_start3A_84 = arith.constant 0 : i32
      %dma_start3A_85 = tpu.memref_slice %arg6[%rem3A_70, %dma_start3A_83, %dma_start3A_84] : memref<4x128x128xf32, #tpu.memory_space<vmem>> -> memref<1x128x128xf32, #tpu.memory_space<vmem>>
      %dma_start3A_86 = tpu.memref_squeeze %dma_start3A_85 : memref<1x128x128xf32, #tpu.memory_space<vmem>> -> memref<128x128xf32, #tpu.memory_space<vmem>>
      %dma_start3A_87 = arith.constant 0 : i32
      %dma_start3A_88 = tpu.memref_slice %arg2[%mul3A_74, %dma_start3A_87] : memref<100000x128xf32, #tpu.memory_space<hbm>> -> memref<128x128xf32, #tpu.memory_space<hbm>>
      tpu.enqueue_dma source(%dma_start3A_88 : memref<128x128xf32, #tpu.memory_space<hbm>>) target(%dma_start3A_86 : memref<128x128xf32, #tpu.memory_space<vmem>>) target_semaphore(%dma_start3A_82 : memref<!tpu.dma_semaphore, #tpu.memory_space<semaphore_mem>>)
    } else {
    }
    %gt3A_25 = arith.constant 2 : i32
    %gt3A_26 = arith.cmpi sgt, %sub3A_8, %gt3A_25 : i32
    %convert_element_type3A_27 = arith.extui %gt3A_26 : i1 to i32
    %cond3A_28 = arith.constant 0 : i32
    %cond3A_29 = arith.cmpi ne, %convert_element_type3A_27, %cond3A_28 : i32
    scf.if %cond3A_29 {
      %rem3A = arith.constant 2 : i32
      %rem3A_69 = arith.constant 4 : i32
      %rem3A_70 = arith.remsi %rem3A, %rem3A_69 : i32
      %add3A_71 = arith.constant 2 : i32
      %add3A_72 = arith.addi %mul3A_2, %add3A_71 : i32
      %mul3A_73 = arith.constant 128 : i32
      %mul3A_74 = arith.muli %add3A_72, %mul3A_73 : i32
      %dma_start3A_75 = arith.constant 0 : i32
      %dma_start3A_76 = arith.constant 0 : i32
      %dma_start3A_77 = tpu.memref_slice %arg6[%rem3A_70, %dma_start3A_75, %dma_start3A_76] : memref<4x128x128xf32, #tpu.memory_space<vmem>> -> memref<1x128x128xf32, #tpu.memory_space<vmem>>
      %dma_start3A_78 = tpu.memref_squeeze %dma_start3A_77 : memref<1x128x128xf32, #tpu.memory_space<vmem>> -> memref<128x128xf32, #tpu.memory_space<vmem>>
      %dma_start3A_79 = arith.constant 0 : i32
      %dma_start3A_80 = tpu.memref_slice %arg2[%mul3A_74, %dma_start3A_79] : memref<100000x128xf32, #tpu.memory_space<hbm>> -> memref<128x128xf32, #tpu.memory_space<hbm>>
      %dma_start3A_81 = tpu.memref_slice %arg9[%rem3A_70] : memref<4x!tpu.dma_semaphore, #tpu.memory_space<semaphore_mem>> -> memref<1x!tpu.dma_semaphore, #tpu.memory_space<semaphore_mem>>
      %dma_start3A_82 = tpu.memref_squeeze %dma_start3A_81 : memref<1x!tpu.dma_semaphore, #tpu.memory_space<semaphore_mem>> -> memref<!tpu.dma_semaphore, #tpu.memory_space<semaphore_mem>>
      %dma_start3A_83 = arith.constant 0 : i32
      %dma_start3A_84 = arith.constant 0 : i32
      %dma_start3A_85 = tpu.memref_slice %arg6[%rem3A_70, %dma_start3A_83, %dma_start3A_84] : memref<4x128x128xf32, #tpu.memory_space<vmem>> -> memref<1x128x128xf32, #tpu.memory_space<vmem>>
      %dma_start3A_86 = tpu.memref_squeeze %dma_start3A_85 : memref<1x128x128xf32, #tpu.memory_space<vmem>> -> memref<128x128xf32, #tpu.memory_space<vmem>>
      %dma_start3A_87 = arith.constant 0 : i32
      %dma_start3A_88 = tpu.memref_slice %arg2[%mul3A_74, %dma_start3A_87] : memref<100000x128xf32, #tpu.memory_space<hbm>> -> memref<128x128xf32, #tpu.memory_space<hbm>>
      tpu.enqueue_dma source(%dma_start3A_88 : memref<128x128xf32, #tpu.memory_space<hbm>>) target(%dma_start3A_86 : memref<128x128xf32, #tpu.memory_space<vmem>>) target_semaphore(%dma_start3A_82 : memref<!tpu.dma_semaphore, #tpu.memory_space<semaphore_mem>>)
    } else {
    }
    %dma_wait3A = arith.constant 0 : i32
    %dma_wait3A_30 = arith.constant 0 : i32
    %dma_wait3A_31 = tpu.memref_slice %arg3[%add3A, %dma_wait3A, %dma_wait3A_30] : memref<32x25x128xi32, #tpu.memory_space<hbm>> -> memref<1x25x128xi32, #tpu.memory_space<hbm>>
    %dma_wait3A_32 = tpu.memref_squeeze %dma_wait3A_31 : memref<1x25x128xi32, #tpu.memory_space<hbm>> -> memref<25x128xi32, #tpu.memory_space<hbm>>
    %dma_wait3A_33 = arith.constant 0 : i32
    %dma_wait3A_34 = arith.constant 0 : i32
    %dma_wait3A_35 = tpu.memref_slice %arg3[%add3A, %dma_wait3A_33, %dma_wait3A_34] : memref<32x25x128xi32, #tpu.memory_space<hbm>> -> memref<1x25x128xi32, #tpu.memory_space<hbm>>
    %dma_wait3A_36 = tpu.memref_squeeze %dma_wait3A_35 : memref<1x25x128xi32, #tpu.memory_space<hbm>> -> memref<25x128xi32, #tpu.memory_space<hbm>>
    tpu.wait_dma2 semaphore(%arg11 : memref<!tpu.dma_semaphore, #tpu.memory_space<semaphore_mem>>) src(%dma_wait3A_36 : memref<25x128xi32, #tpu.memory_space<hbm>>) dst(%arg7 : memref<25x128xi32, #tpu.memory_space<vmem>>)
    %barrier3A = arith.constant 0 : index
    tpu.barrier barrier_id(%barrier3A)
    %eq3A_37 = arith.constant 31 : i32
    %eq3A_38 = arith.cmpi eq, %add3A, %eq3A_37 : i32
    %convert_element_type3A_39 = arith.extui %eq3A_38 : i1 to i32
    %cond3A_40 = arith.constant 0 : i32
    %cond3A_41 = arith.cmpi ne, %convert_element_type3A_39, %cond3A_40 : i32
    scf.if %cond3A_41 {
      %run_scoped3A_69 = arith.constant 0 : i32
      "tpu.region"() ({
        %run_scoped3A_93 = tpu.sem_alloc : memref<!tpu.dma_semaphore, #tpu.memory_space<semaphore_mem>>
        %dma_start3A_94 = arith.constant 0 : i32
        %dma_start3A_95 = arith.constant 0 : i32
        %dma_start3A_96 = tpu.memref_slice %arg6[%run_scoped3A_69, %dma_start3A_94, %dma_start3A_95] : memref<4x128x128xf32, #tpu.memory_space<vmem>> -> memref<1x32x128xf32, #tpu.memory_space<vmem>>
        %dma_start3A_97 = tpu.memref_squeeze %dma_start3A_96 : memref<1x32x128xf32, #tpu.memory_space<vmem>> -> memref<32x128xf32, #tpu.memory_space<vmem>>
        %dma_start3A_98 = arith.constant 99968 : i32
        %dma_start3A_99 = arith.constant 0 : i32
        %dma_start3A_100 = tpu.memref_slice %arg2[%dma_start3A_98, %dma_start3A_99] : memref<100000x128xf32, #tpu.memory_space<hbm>> -> memref<32x128xf32, #tpu.memory_space<hbm>>
        %dma_start3A_101 = arith.constant 0 : i32
        %dma_start3A_102 = arith.constant 0 : i32
        %dma_start3A_103 = tpu.memref_slice %arg6[%run_scoped3A_69, %dma_start3A_101, %dma_start3A_102] : memref<4x128x128xf32, #tpu.memory_space<vmem>> -> memref<1x32x128xf32, #tpu.memory_space<vmem>>
        %dma_start3A_104 = tpu.memref_squeeze %dma_start3A_103 : memref<1x32x128xf32, #tpu.memory_space<vmem>> -> memref<32x128xf32, #tpu.memory_space<vmem>>
        %dma_start3A_105 = arith.constant 99968 : i32
        %dma_start3A_106 = arith.constant 0 : i32
        %dma_start3A_107 = tpu.memref_slice %arg2[%dma_start3A_105, %dma_start3A_106] : memref<100000x128xf32, #tpu.memory_space<hbm>> -> memref<32x128xf32, #tpu.memory_space<hbm>>
        tpu.enqueue_dma source(%dma_start3A_107 : memref<32x128xf32, #tpu.memory_space<hbm>>) target(%dma_start3A_104 : memref<32x128xf32, #tpu.memory_space<vmem>>) target_semaphore(%run_scoped3A_93 : memref<!tpu.dma_semaphore, #tpu.memory_space<semaphore_mem>>)
        %dma_wait3A_108 = arith.constant 0 : i32
        %dma_wait3A_109 = arith.constant 0 : i32
        %dma_wait3A_110 = tpu.memref_slice %arg6[%run_scoped3A_69, %dma_wait3A_108, %dma_wait3A_109] : memref<4x128x128xf32, #tpu.memory_space<vmem>> -> memref<1x32x128xf32, #tpu.memory_space<vmem>>
        %dma_wait3A_111 = tpu.memref_squeeze %dma_wait3A_110 : memref<1x32x128xf32, #tpu.memory_space<vmem>> -> memref<32x128xf32, #tpu.memory_space<vmem>>
        %dma_wait3A_112 = arith.constant 99968 : i32
        %dma_wait3A_113 = arith.constant 0 : i32
        %dma_wait3A_114 = tpu.memref_slice %arg2[%dma_wait3A_112, %dma_wait3A_113] : memref<100000x128xf32, #tpu.memory_space<hbm>> -> memref<32x128xf32, #tpu.memory_space<hbm>>
        %dma_wait3A_115 = arith.constant 0 : i32
        %dma_wait3A_116 = arith.constant 0 : i32
        %dma_wait3A_117 = tpu.memref_slice %arg6[%run_scoped3A_69, %dma_wait3A_115, %dma_wait3A_116] : memref<4x128x128xf32, #tpu.memory_space<vmem>> -> memref<1x32x128xf32, #tpu.memory_space<vmem>>
        %dma_wait3A_118 = tpu.memref_squeeze %dma_wait3A_117 : memref<1x32x128xf32, #tpu.memory_space<vmem>> -> memref<32x128xf32, #tpu.memory_space<vmem>>
        %dma_wait3A_119 = arith.constant 99968 : i32
        %dma_wait3A_120 = arith.constant 0 : i32
        %dma_wait3A_121 = tpu.memref_slice %arg2[%dma_wait3A_119, %dma_wait3A_120] : memref<100000x128xf32, #tpu.memory_space<hbm>> -> memref<32x128xf32, #tpu.memory_space<hbm>>
        tpu.wait_dma2 semaphore(%run_scoped3A_93 : memref<!tpu.dma_semaphore, #tpu.memory_space<semaphore_mem>>) src(%dma_wait3A_121 : memref<32x128xf32, #tpu.memory_space<hbm>>) dst(%dma_wait3A_118 : memref<32x128xf32, #tpu.memory_space<vmem>>)
        tpu.yield
      }) : () -> ()
      %sub3A_70 = arith.constant 1 : i32
      %sub3A_71 = arith.subi %min3A, %sub3A_70 : i32
      %run_scoped3A_72 = arith.constant 0 : i32
      "tpu.region"() ({
        %run_scoped3A_93 = tpu.sem_alloc : memref<!tpu.dma_semaphore, #tpu.memory_space<semaphore_mem>>
        %dma_start3A_94 = arith.constant 0 : i32
        %dma_start3A_95 = arith.constant 0 : i32
        %dma_start3A_96 = tpu.memref_slice %arg6[%run_scoped3A_72, %dma_start3A_94, %dma_start3A_95] : memref<4x128x128xf32, #tpu.memory_space<vmem>> -> memref<1x128x128xf32, #tpu.memory_space<vmem>>
        %dma_start3A_97 = tpu.memref_squeeze %dma_start3A_96 : memref<1x128x128xf32, #tpu.memory_space<vmem>> -> memref<128x128xf32, #tpu.memory_space<vmem>>
        %dma_start3A_98 = arith.constant 0 : i32
        %dma_start3A_99 = tpu.memref_slice %arg7[%sub3A_71, %dma_start3A_98] : memref<25x128xi32, #tpu.memory_space<vmem>> -> memref<1x128xi32, #tpu.memory_space<vmem>>
        %dma_start3A_100 = tpu.memref_squeeze %dma_start3A_99 : memref<1x128xi32, #tpu.memory_space<vmem>> -> memref<128xi32, #tpu.memory_space<vmem>>
        %dma_start3A_101 = arith.constant 0 : i32
        %dma_start3A_102 = arith.constant 0 : i32
        %dma_start3A_103 = tpu.memref_slice %arg8[%dma_start3A_101, %dma_start3A_102] : memref<512x128xf32, #tpu.memory_space<vmem_shared>> -> memref<512x128xf32, #tpu.memory_space<vmem_shared>>
        tpu.enqueue_indirect_dma source(%dma_start3A_97 : memref<128x128xf32, #tpu.memory_space<vmem>>) target(%dma_start3A_103 : memref<512x128xf32, #tpu.memory_space<vmem_shared>>) offsets(%dma_start3A_100 : memref<128xi32, #tpu.memory_space<vmem>>) semaphore(%run_scoped3A_93 : memref<!tpu.dma_semaphore, #tpu.memory_space<semaphore_mem>>) {add = true}
        %dma_wait3A_104 = arith.constant 0 : i32
        %dma_wait3A_105 = arith.constant 0 : i32
        %dma_wait3A_106 = tpu.memref_slice %arg6[%run_scoped3A_72, %dma_wait3A_104, %dma_wait3A_105] : memref<4x128x128xf32, #tpu.memory_space<vmem>> -> memref<1x128x128xf32, #tpu.memory_space<vmem>>
        %dma_wait3A_107 = tpu.memref_squeeze %dma_wait3A_106 : memref<1x128x128xf32, #tpu.memory_space<vmem>> -> memref<128x128xf32, #tpu.memory_space<vmem>>
        %dma_wait3A_108 = arith.constant 0 : i32
        %dma_wait3A_109 = tpu.memref_slice %arg7[%sub3A_71, %dma_wait3A_108] : memref<25x128xi32, #tpu.memory_space<vmem>> -> memref<1x128xi32, #tpu.memory_space<vmem>>
        %dma_wait3A_110 = tpu.memref_squeeze %dma_wait3A_109 : memref<1x128xi32, #tpu.memory_space<vmem>> -> memref<128xi32, #tpu.memory_space<vmem>>
        %dma_wait3A_111 = arith.constant 0 : i32
        %dma_wait3A_112 = arith.constant 0 : i32
        %dma_wait3A_113 = tpu.memref_slice %arg8[%dma_wait3A_111, %dma_wait3A_112] : memref<512x128xf32, #tpu.memory_space<vmem_shared>> -> memref<512x128xf32, #tpu.memory_space<vmem_shared>>
        tpu.wait_indirect_dma semaphore(%run_scoped3A_93 : memref<!tpu.dma_semaphore, #tpu.memory_space<semaphore_mem>>) src(%dma_wait3A_107 : memref<128x128xf32, #tpu.memory_space<vmem>>) dst(%dma_wait3A_113 : memref<512x128xf32, #tpu.memory_space<vmem_shared>>)
        tpu.yield
      }) : () -> ()
      %rem3A = arith.constant 0 : i32
      %rem3A_73 = arith.constant 4 : i32
      %rem3A_74 = arith.remsi %rem3A, %rem3A_73 : i32
      %add3A_75 = arith.constant 0 : i32
      %add3A_76 = arith.addi %mul3A_2, %add3A_75 : i32
      %mul3A_77 = arith.constant 128 : i32
      %mul3A_78 = arith.muli %add3A_76, %mul3A_77 : i32
      %dma_start3A_79 = arith.constant 0 : i32
      %dma_start3A_80 = arith.constant 0 : i32
      %dma_start3A_81 = tpu.memref_slice %arg6[%rem3A_74, %dma_start3A_79, %dma_start3A_80] : memref<4x128x128xf32, #tpu.memory_space<vmem>> -> memref<1x128x128xf32, #tpu.memory_space<vmem>>
      %dma_start3A_82 = tpu.memref_squeeze %dma_start3A_81 : memref<1x128x128xf32, #tpu.memory_space<vmem>> -> memref<128x128xf32, #tpu.memory_space<vmem>>
      %dma_start3A_83 = arith.constant 0 : i32
      %dma_start3A_84 = tpu.memref_slice %arg2[%mul3A_78, %dma_start3A_83] : memref<100000x128xf32, #tpu.memory_space<hbm>> -> memref<128x128xf32, #tpu.memory_space<hbm>>
      %dma_start3A_85 = tpu.memref_slice %arg9[%rem3A_74] : memref<4x!tpu.dma_semaphore, #tpu.memory_space<semaphore_mem>> -> memref<1x!tpu.dma_semaphore, #tpu.memory_space<semaphore_mem>>
      %dma_start3A_86 = tpu.memref_squeeze %dma_start3A_85 : memref<1x!tpu.dma_semaphore, #tpu.memory_space<semaphore_mem>> -> memref<!tpu.dma_semaphore, #tpu.memory_space<semaphore_mem>>
      %dma_start3A_87 = arith.constant 0 : i32
      %dma_start3A_88 = arith.constant 0 : i32
      %dma_start3A_89 = tpu.memref_slice %arg6[%rem3A_74, %dma_start3A_87, %dma_start3A_88] : memref<4x128x128xf32, #tpu.memory_space<vmem>> -> memref<1x128x128xf32, #tpu.memory_space<vmem>>
      %dma_start3A_90 = tpu.memref_squeeze %dma_start3A_89 : memref<1x128x128xf32, #tpu.memory_space<vmem>> -> memref<128x128xf32, #tpu.memory_space<vmem>>
      %dma_start3A_91 = arith.constant 0 : i32
      %dma_start3A_92 = tpu.memref_slice %arg2[%mul3A_78, %dma_start3A_91] : memref<100000x128xf32, #tpu.memory_space<hbm>> -> memref<128x128xf32, #tpu.memory_space<hbm>>
      tpu.enqueue_dma source(%dma_start3A_92 : memref<128x128xf32, #tpu.memory_space<hbm>>) target(%dma_start3A_90 : memref<128x128xf32, #tpu.memory_space<vmem>>) target_semaphore(%dma_start3A_86 : memref<!tpu.dma_semaphore, #tpu.memory_space<semaphore_mem>>)
    } else {
    }
    %while3A = arith.constant 0 : i32
    %while3A_42 = arith.constant 0 : i32
    %while3A_43 = arith.subi %sub3A_8, %while3A_42 : i32
    %while3A_44 = arith.addi %while3A_42, %while3A_43 : i32
    %while3A_45 = arith.constant 1 : i32
    %while3A_46 = arith.divsi %while3A_43, %while3A_45 : i32
    %while3A_47 = arith.muli %while3A_46, %while3A_45 : i32
    %while3A_48 = arith.addi %while3A_42, %while3A_47 : i32
    %while3A_49 = arith.constant 1 : i32
    scf.for %while3A_69 = %while3A_42 to %while3A_48 step %while3A_49  : i32 {
      %rem3A = arith.constant 4 : i32
      %rem3A_70 = arith.remsi %while3A_69, %rem3A : i32
      %add3A_71 = arith.constant 3 : i32
      %add3A_72 = arith.addi %while3A_69, %add3A_71 : i32
      %lt3A = arith.cmpi slt, %add3A_72, %sub3A_8 : i32
      %convert_element_type3A_73 = arith.extui %lt3A : i1 to i32
      %cond3A_74 = arith.constant 0 : i32
      %cond3A_75 = arith.cmpi ne, %convert_element_type3A_73, %cond3A_74 : i32
      scf.if %cond3A_75 {
        %ge3A = arith.constant 1 : i32
        %ge3A_104 = arith.cmpi sge, %while3A_69, %ge3A : i32
        %convert_element_type3A_105 = arith.extui %ge3A_104 : i1 to i32
        %cond3A_106 = arith.constant 0 : i32
        %cond3A_107 = arith.cmpi ne, %convert_element_type3A_105, %cond3A_106 : i32
        scf.if %cond3A_107 {
          %add3A_129 = arith.constant 4 : i32
          %add3A_130 = arith.addi %while3A_69, %add3A_129 : i32
          %sub3A_131 = arith.constant 1 : i32
          %sub3A_132 = arith.subi %add3A_130, %sub3A_131 : i32
          %rem3A_133 = arith.constant 4 : i32
          %rem3A_134 = arith.remsi %sub3A_132, %rem3A_133 : i32
          %dma_wait3A_135 = arith.constant 0 : i32
          %dma_wait3A_136 = arith.constant 0 : i32
          %dma_wait3A_137 = arith.constant 0 : i32
          %dma_wait3A_138 = tpu.memref_slice %arg6[%rem3A_134, %dma_wait3A_136, %dma_wait3A_137] : memref<4x128x128xf32, #tpu.memory_space<vmem>> -> memref<1x128x128xf32, #tpu.memory_space<vmem>>
          %dma_wait3A_139 = tpu.memref_squeeze %dma_wait3A_138 : memref<1x128x128xf32, #tpu.memory_space<vmem>> -> memref<128x128xf32, #tpu.memory_space<vmem>>
          %dma_wait3A_140 = arith.constant 0 : i32
          %dma_wait3A_141 = tpu.memref_slice %arg7[%dma_wait3A_135, %dma_wait3A_140] : memref<25x128xi32, #tpu.memory_space<vmem>> -> memref<1x128xi32, #tpu.memory_space<vmem>>
          %dma_wait3A_142 = tpu.memref_squeeze %dma_wait3A_141 : memref<1x128xi32, #tpu.memory_space<vmem>> -> memref<128xi32, #tpu.memory_space<vmem>>
          %dma_wait3A_143 = arith.constant 0 : i32
          %dma_wait3A_144 = arith.constant 0 : i32
          %dma_wait3A_145 = tpu.memref_slice %arg8[%dma_wait3A_143, %dma_wait3A_144] : memref<512x128xf32, #tpu.memory_space<vmem_shared>> -> memref<512x128xf32, #tpu.memory_space<vmem_shared>>
          %dma_wait3A_146 = tpu.memref_slice %arg10[%rem3A_134] : memref<4x!tpu.dma_semaphore, #tpu.memory_space<semaphore_mem>> -> memref<1x!tpu.dma_semaphore, #tpu.memory_space<semaphore_mem>>
          %dma_wait3A_147 = tpu.memref_squeeze %dma_wait3A_146 : memref<1x!tpu.dma_semaphore, #tpu.memory_space<semaphore_mem>> -> memref<!tpu.dma_semaphore, #tpu.memory_space<semaphore_mem>>
          tpu.wait_indirect_dma semaphore(%dma_wait3A_147 : memref<!tpu.dma_semaphore, #tpu.memory_space<semaphore_mem>>) src(%dma_wait3A_139 : memref<128x128xf32, #tpu.memory_space<vmem>>) dst(%dma_wait3A_145 : memref<512x128xf32, #tpu.memory_space<vmem_shared>>)
        } else {
        }
        %add3A_108 = arith.constant 3 : i32
        %add3A_109 = arith.addi %while3A_69, %add3A_108 : i32
        %rem3A_110 = arith.constant 4 : i32
        %rem3A_111 = arith.remsi %add3A_109, %rem3A_110 : i32
        %add3A_112 = arith.addi %mul3A_2, %add3A_109 : i32
        %mul3A_113 = arith.constant 128 : i32
        %mul3A_114 = arith.muli %add3A_112, %mul3A_113 : i32
        %dma_start3A_115 = arith.constant 0 : i32
        %dma_start3A_116 = arith.constant 0 : i32
        %dma_start3A_117 = tpu.memref_slice %arg6[%rem3A_111, %dma_start3A_115, %dma_start3A_116] : memref<4x128x128xf32, #tpu.memory_space<vmem>> -> memref<1x128x128xf32, #tpu.memory_space<vmem>>
        %dma_start3A_118 = tpu.memref_squeeze %dma_start3A_117 : memref<1x128x128xf32, #tpu.memory_space<vmem>> -> memref<128x128xf32, #tpu.memory_space<vmem>>
        %dma_start3A_119 = arith.constant 0 : i32
        %dma_start3A_120 = tpu.memref_slice %arg2[%mul3A_114, %dma_start3A_119] : memref<100000x128xf32, #tpu.memory_space<hbm>> -> memref<128x128xf32, #tpu.memory_space<hbm>>
        %dma_start3A_121 = tpu.memref_slice %arg9[%rem3A_111] : memref<4x!tpu.dma_semaphore, #tpu.memory_space<semaphore_mem>> -> memref<1x!tpu.dma_semaphore, #tpu.memory_space<semaphore_mem>>
        %dma_start3A_122 = tpu.memref_squeeze %dma_start3A_121 : memref<1x!tpu.dma_semaphore, #tpu.memory_space<semaphore_mem>> -> memref<!tpu.dma_semaphore, #tpu.memory_space<semaphore_mem>>
        %dma_start3A_123 = arith.constant 0 : i32
        %dma_start3A_124 = arith.constant 0 : i32
        %dma_start3A_125 = tpu.memref_slice %arg6[%rem3A_111, %dma_start3A_123, %dma_start3A_124] : memref<4x128x128xf32, #tpu.memory_space<vmem>> -> memref<1x128x128xf32, #tpu.memory_space<vmem>>
        %dma_start3A_126 = tpu.memref_squeeze %dma_start3A_125 : memref<1x128x128xf32, #tpu.memory_space<vmem>> -> memref<128x128xf32, #tpu.memory_space<vmem>>
        %dma_start3A_127 = arith.constant 0 : i32
        %dma_start3A_128 = tpu.memref_slice %arg2[%mul3A_114, %dma_start3A_127] : memref<100000x128xf32, #tpu.memory_space<hbm>> -> memref<128x128xf32, #tpu.memory_space<hbm>>
        tpu.enqueue_dma source(%dma_start3A_128 : memref<128x128xf32, #tpu.memory_space<hbm>>) target(%dma_start3A_126 : memref<128x128xf32, #tpu.memory_space<vmem>>) target_semaphore(%dma_start3A_122 : memref<!tpu.dma_semaphore, #tpu.memory_space<semaphore_mem>>)
      } else {
      }
      %dma_wait3A_76 = arith.constant 0 : i32
      %dma_wait3A_77 = arith.constant 0 : i32
      %dma_wait3A_78 = tpu.memref_slice %arg6[%rem3A_70, %dma_wait3A_76, %dma_wait3A_77] : memref<4x128x128xf32, #tpu.memory_space<vmem>> -> memref<1x128x128xf32, #tpu.memory_space<vmem>>
      %dma_wait3A_79 = tpu.memref_squeeze %dma_wait3A_78 : memref<1x128x128xf32, #tpu.memory_space<vmem>> -> memref<128x128xf32, #tpu.memory_space<vmem>>
      %dma_wait3A_80 = arith.constant 0 : i32
      %dma_wait3A_81 = arith.constant 0 : i32
      %dma_wait3A_82 = tpu.memref_slice %arg2[%dma_wait3A_80, %dma_wait3A_81] : memref<100000x128xf32, #tpu.memory_space<hbm>> -> memref<128x128xf32, #tpu.memory_space<hbm>>
      %dma_wait3A_83 = tpu.memref_slice %arg9[%rem3A_70] : memref<4x!tpu.dma_semaphore, #tpu.memory_space<semaphore_mem>> -> memref<1x!tpu.dma_semaphore, #tpu.memory_space<semaphore_mem>>
      %dma_wait3A_84 = tpu.memref_squeeze %dma_wait3A_83 : memref<1x!tpu.dma_semaphore, #tpu.memory_space<semaphore_mem>> -> memref<!tpu.dma_semaphore, #tpu.memory_space<semaphore_mem>>
      %dma_wait3A_85 = arith.constant 0 : i32
      %dma_wait3A_86 = arith.constant 0 : i32
      %dma_wait3A_87 = tpu.memref_slice %arg6[%rem3A_70, %dma_wait3A_85, %dma_wait3A_86] : memref<4x128x128xf32, #tpu.memory_space<vmem>> -> memref<1x128x128xf32, #tpu.memory_space<vmem>>
      %dma_wait3A_88 = tpu.memref_squeeze %dma_wait3A_87 : memref<1x128x128xf32, #tpu.memory_space<vmem>> -> memref<128x128xf32, #tpu.memory_space<vmem>>
      %dma_wait3A_89 = arith.constant 0 : i32
      %dma_wait3A_90 = arith.constant 0 : i32
      %dma_wait3A_91 = tpu.memref_slice %arg2[%dma_wait3A_89, %dma_wait3A_90] : memref<100000x128xf32, #tpu.memory_space<hbm>> -> memref<128x128xf32, #tpu.memory_space<hbm>>
      tpu.wait_dma2 semaphore(%dma_wait3A_84 : memref<!tpu.dma_semaphore, #tpu.memory_space<semaphore_mem>>) src(%dma_wait3A_91 : memref<128x128xf32, #tpu.memory_space<hbm>>) dst(%dma_wait3A_88 : memref<128x128xf32, #tpu.memory_space<vmem>>)
      %dma_start3A_92 = arith.constant 0 : i32
      %dma_start3A_93 = arith.constant 0 : i32
      %dma_start3A_94 = tpu.memref_slice %arg6[%rem3A_70, %dma_start3A_92, %dma_start3A_93] : memref<4x128x128xf32, #tpu.memory_space<vmem>> -> memref<1x128x128xf32, #tpu.memory_space<vmem>>
      %dma_start3A_95 = tpu.memref_squeeze %dma_start3A_94 : memref<1x128x128xf32, #tpu.memory_space<vmem>> -> memref<128x128xf32, #tpu.memory_space<vmem>>
      %dma_start3A_96 = arith.constant 0 : i32
      %dma_start3A_97 = tpu.memref_slice %arg7[%while3A_69, %dma_start3A_96] : memref<25x128xi32, #tpu.memory_space<vmem>> -> memref<1x128xi32, #tpu.memory_space<vmem>>
      %dma_start3A_98 = tpu.memref_squeeze %dma_start3A_97 : memref<1x128xi32, #tpu.memory_space<vmem>> -> memref<128xi32, #tpu.memory_space<vmem>>
      %dma_start3A_99 = arith.constant 0 : i32
      %dma_start3A_100 = arith.constant 0 : i32
      %dma_start3A_101 = tpu.memref_slice %arg8[%dma_start3A_99, %dma_start3A_100] : memref<512x128xf32, #tpu.memory_space<vmem_shared>> -> memref<512x128xf32, #tpu.memory_space<vmem_shared>>
      %dma_start3A_102 = tpu.memref_slice %arg10[%rem3A_70] : memref<4x!tpu.dma_semaphore, #tpu.memory_space<semaphore_mem>> -> memref<1x!tpu.dma_semaphore, #tpu.memory_space<semaphore_mem>>
      %dma_start3A_103 = tpu.memref_squeeze %dma_start3A_102 : memref<1x!tpu.dma_semaphore, #tpu.memory_space<semaphore_mem>> -> memref<!tpu.dma_semaphore, #tpu.memory_space<semaphore_mem>>
      tpu.enqueue_indirect_dma source(%dma_start3A_95 : memref<128x128xf32, #tpu.memory_space<vmem>>) target(%dma_start3A_101 : memref<512x128xf32, #tpu.memory_space<vmem_shared>>) offsets(%dma_start3A_98 : memref<128xi32, #tpu.memory_space<vmem>>) semaphore(%dma_start3A_103 : memref<!tpu.dma_semaphore, #tpu.memory_space<semaphore_mem>>) {add = true}
    }
    %while3A_50 = arith.constant 1 : i32
    scf.for %while3A_69 = %while3A_48 to %while3A_44 step %while3A_50  : i32 {
      %rem3A = arith.constant 4 : i32
      %rem3A_70 = arith.remsi %while3A_69, %rem3A : i32
      %add3A_71 = arith.constant 3 : i32
      %add3A_72 = arith.addi %while3A_69, %add3A_71 : i32
      %lt3A = arith.cmpi slt, %add3A_72, %sub3A_8 : i32
      %convert_element_type3A_73 = arith.extui %lt3A : i1 to i32
      %cond3A_74 = arith.constant 0 : i32
      %cond3A_75 = arith.cmpi ne, %convert_element_type3A_73, %cond3A_74 : i32
      scf.if %cond3A_75 {
        %ge3A = arith.constant 1 : i32
        %ge3A_104 = arith.cmpi sge, %while3A_69, %ge3A : i32
        %convert_element_type3A_105 = arith.extui %ge3A_104 : i1 to i32
        %cond3A_106 = arith.constant 0 : i32
        %cond3A_107 = arith.cmpi ne, %convert_element_type3A_105, %cond3A_106 : i32
        scf.if %cond3A_107 {
          %add3A_129 = arith.constant 4 : i32
          %add3A_130 = arith.addi %while3A_69, %add3A_129 : i32
          %sub3A_131 = arith.constant 1 : i32
          %sub3A_132 = arith.subi %add3A_130, %sub3A_131 : i32
          %rem3A_133 = arith.constant 4 : i32
          %rem3A_134 = arith.remsi %sub3A_132, %rem3A_133 : i32
          %dma_wait3A_135 = arith.constant 0 : i32
          %dma_wait3A_136 = arith.constant 0 : i32
          %dma_wait3A_137 = arith.constant 0 : i32
          %dma_wait3A_138 = tpu.memref_slice %arg6[%rem3A_134, %dma_wait3A_136, %dma_wait3A_137] : memref<4x128x128xf32, #tpu.memory_space<vmem>> -> memref<1x128x128xf32, #tpu.memory_space<vmem>>
          %dma_wait3A_139 = tpu.memref_squeeze %dma_wait3A_138 : memref<1x128x128xf32, #tpu.memory_space<vmem>> -> memref<128x128xf32, #tpu.memory_space<vmem>>
          %dma_wait3A_140 = arith.constant 0 : i32
          %dma_wait3A_141 = tpu.memref_slice %arg7[%dma_wait3A_135, %dma_wait3A_140] : memref<25x128xi32, #tpu.memory_space<vmem>> -> memref<1x128xi32, #tpu.memory_space<vmem>>
          %dma_wait3A_142 = tpu.memref_squeeze %dma_wait3A_141 : memref<1x128xi32, #tpu.memory_space<vmem>> -> memref<128xi32, #tpu.memory_space<vmem>>
          %dma_wait3A_143 = arith.constant 0 : i32
          %dma_wait3A_144 = arith.constant 0 : i32
          %dma_wait3A_145 = tpu.memref_slice %arg8[%dma_wait3A_143, %dma_wait3A_144] : memref<512x128xf32, #tpu.memory_space<vmem_shared>> -> memref<512x128xf32, #tpu.memory_space<vmem_shared>>
          %dma_wait3A_146 = tpu.memref_slice %arg10[%rem3A_134] : memref<4x!tpu.dma_semaphore, #tpu.memory_space<semaphore_mem>> -> memref<1x!tpu.dma_semaphore, #tpu.memory_space<semaphore_mem>>
          %dma_wait3A_147 = tpu.memref_squeeze %dma_wait3A_146 : memref<1x!tpu.dma_semaphore, #tpu.memory_space<semaphore_mem>> -> memref<!tpu.dma_semaphore, #tpu.memory_space<semaphore_mem>>
          tpu.wait_indirect_dma semaphore(%dma_wait3A_147 : memref<!tpu.dma_semaphore, #tpu.memory_space<semaphore_mem>>) src(%dma_wait3A_139 : memref<128x128xf32, #tpu.memory_space<vmem>>) dst(%dma_wait3A_145 : memref<512x128xf32, #tpu.memory_space<vmem_shared>>)
        } else {
        }
        %add3A_108 = arith.constant 3 : i32
        %add3A_109 = arith.addi %while3A_69, %add3A_108 : i32
        %rem3A_110 = arith.constant 4 : i32
        %rem3A_111 = arith.remsi %add3A_109, %rem3A_110 : i32
        %add3A_112 = arith.addi %mul3A_2, %add3A_109 : i32
        %mul3A_113 = arith.constant 128 : i32
        %mul3A_114 = arith.muli %add3A_112, %mul3A_113 : i32
        %dma_start3A_115 = arith.constant 0 : i32
        %dma_start3A_116 = arith.constant 0 : i32
        %dma_start3A_117 = tpu.memref_slice %arg6[%rem3A_111, %dma_start3A_115, %dma_start3A_116] : memref<4x128x128xf32, #tpu.memory_space<vmem>> -> memref<1x128x128xf32, #tpu.memory_space<vmem>>
        %dma_start3A_118 = tpu.memref_squeeze %dma_start3A_117 : memref<1x128x128xf32, #tpu.memory_space<vmem>> -> memref<128x128xf32, #tpu.memory_space<vmem>>
        %dma_start3A_119 = arith.constant 0 : i32
        %dma_start3A_120 = tpu.memref_slice %arg2[%mul3A_114, %dma_start3A_119] : memref<100000x128xf32, #tpu.memory_space<hbm>> -> memref<128x128xf32, #tpu.memory_space<hbm>>
        %dma_start3A_121 = tpu.memref_slice %arg9[%rem3A_111] : memref<4x!tpu.dma_semaphore, #tpu.memory_space<semaphore_mem>> -> memref<1x!tpu.dma_semaphore, #tpu.memory_space<semaphore_mem>>
        %dma_start3A_122 = tpu.memref_squeeze %dma_start3A_121 : memref<1x!tpu.dma_semaphore, #tpu.memory_space<semaphore_mem>> -> memref<!tpu.dma_semaphore, #tpu.memory_space<semaphore_mem>>
        %dma_start3A_123 = arith.constant 0 : i32
        %dma_start3A_124 = arith.constant 0 : i32
        %dma_start3A_125 = tpu.memref_slice %arg6[%rem3A_111, %dma_start3A_123, %dma_start3A_124] : memref<4x128x128xf32, #tpu.memory_space<vmem>> -> memref<1x128x128xf32, #tpu.memory_space<vmem>>
        %dma_start3A_126 = tpu.memref_squeeze %dma_start3A_125 : memref<1x128x128xf32, #tpu.memory_space<vmem>> -> memref<128x128xf32, #tpu.memory_space<vmem>>
        %dma_start3A_127 = arith.constant 0 : i32
        %dma_start3A_128 = tpu.memref_slice %arg2[%mul3A_114, %dma_start3A_127] : memref<100000x128xf32, #tpu.memory_space<hbm>> -> memref<128x128xf32, #tpu.memory_space<hbm>>
        tpu.enqueue_dma source(%dma_start3A_128 : memref<128x128xf32, #tpu.memory_space<hbm>>) target(%dma_start3A_126 : memref<128x128xf32, #tpu.memory_space<vmem>>) target_semaphore(%dma_start3A_122 : memref<!tpu.dma_semaphore, #tpu.memory_space<semaphore_mem>>)
      } else {
      }
      %dma_wait3A_76 = arith.constant 0 : i32
      %dma_wait3A_77 = arith.constant 0 : i32
      %dma_wait3A_78 = tpu.memref_slice %arg6[%rem3A_70, %dma_wait3A_76, %dma_wait3A_77] : memref<4x128x128xf32, #tpu.memory_space<vmem>> -> memref<1x128x128xf32, #tpu.memory_space<vmem>>
      %dma_wait3A_79 = tpu.memref_squeeze %dma_wait3A_78 : memref<1x128x128xf32, #tpu.memory_space<vmem>> -> memref<128x128xf32, #tpu.memory_space<vmem>>
      %dma_wait3A_80 = arith.constant 0 : i32
      %dma_wait3A_81 = arith.constant 0 : i32
      %dma_wait3A_82 = tpu.memref_slice %arg2[%dma_wait3A_80, %dma_wait3A_81] : memref<100000x128xf32, #tpu.memory_space<hbm>> -> memref<128x128xf32, #tpu.memory_space<hbm>>
      %dma_wait3A_83 = tpu.memref_slice %arg9[%rem3A_70] : memref<4x!tpu.dma_semaphore, #tpu.memory_space<semaphore_mem>> -> memref<1x!tpu.dma_semaphore, #tpu.memory_space<semaphore_mem>>
      %dma_wait3A_84 = tpu.memref_squeeze %dma_wait3A_83 : memref<1x!tpu.dma_semaphore, #tpu.memory_space<semaphore_mem>> -> memref<!tpu.dma_semaphore, #tpu.memory_space<semaphore_mem>>
      %dma_wait3A_85 = arith.constant 0 : i32
      %dma_wait3A_86 = arith.constant 0 : i32
      %dma_wait3A_87 = tpu.memref_slice %arg6[%rem3A_70, %dma_wait3A_85, %dma_wait3A_86] : memref<4x128x128xf32, #tpu.memory_space<vmem>> -> memref<1x128x128xf32, #tpu.memory_space<vmem>>
      %dma_wait3A_88 = tpu.memref_squeeze %dma_wait3A_87 : memref<1x128x128xf32, #tpu.memory_space<vmem>> -> memref<128x128xf32, #tpu.memory_space<vmem>>
      %dma_wait3A_89 = arith.constant 0 : i32
      %dma_wait3A_90 = arith.constant 0 : i32
      %dma_wait3A_91 = tpu.memref_slice %arg2[%dma_wait3A_89, %dma_wait3A_90] : memref<100000x128xf32, #tpu.memory_space<hbm>> -> memref<128x128xf32, #tpu.memory_space<hbm>>
      tpu.wait_dma2 semaphore(%dma_wait3A_84 : memref<!tpu.dma_semaphore, #tpu.memory_space<semaphore_mem>>) src(%dma_wait3A_91 : memref<128x128xf32, #tpu.memory_space<hbm>>) dst(%dma_wait3A_88 : memref<128x128xf32, #tpu.memory_space<vmem>>)
      %dma_start3A_92 = arith.constant 0 : i32
      %dma_start3A_93 = arith.constant 0 : i32
      %dma_start3A_94 = tpu.memref_slice %arg6[%rem3A_70, %dma_start3A_92, %dma_start3A_93] : memref<4x128x128xf32, #tpu.memory_space<vmem>> -> memref<1x128x128xf32, #tpu.memory_space<vmem>>
      %dma_start3A_95 = tpu.memref_squeeze %dma_start3A_94 : memref<1x128x128xf32, #tpu.memory_space<vmem>> -> memref<128x128xf32, #tpu.memory_space<vmem>>
      %dma_start3A_96 = arith.constant 0 : i32
      %dma_start3A_97 = tpu.memref_slice %arg7[%while3A_69, %dma_start3A_96] : memref<25x128xi32, #tpu.memory_space<vmem>> -> memref<1x128xi32, #tpu.memory_space<vmem>>
      %dma_start3A_98 = tpu.memref_squeeze %dma_start3A_97 : memref<1x128xi32, #tpu.memory_space<vmem>> -> memref<128xi32, #tpu.memory_space<vmem>>
      %dma_start3A_99 = arith.constant 0 : i32
      %dma_start3A_100 = arith.constant 0 : i32
      %dma_start3A_101 = tpu.memref_slice %arg8[%dma_start3A_99, %dma_start3A_100] : memref<512x128xf32, #tpu.memory_space<vmem_shared>> -> memref<512x128xf32, #tpu.memory_space<vmem_shared>>
      %dma_start3A_102 = tpu.memref_slice %arg10[%rem3A_70] : memref<4x!tpu.dma_semaphore, #tpu.memory_space<semaphore_mem>> -> memref<1x!tpu.dma_semaphore, #tpu.memory_space<semaphore_mem>>
      %dma_start3A_103 = tpu.memref_squeeze %dma_start3A_102 : memref<1x!tpu.dma_semaphore, #tpu.memory_space<semaphore_mem>> -> memref<!tpu.dma_semaphore, #tpu.memory_space<semaphore_mem>>
      tpu.enqueue_indirect_dma source(%dma_start3A_95 : memref<128x128xf32, #tpu.memory_space<vmem>>) target(%dma_start3A_101 : memref<512x128xf32, #tpu.memory_space<vmem_shared>>) offsets(%dma_start3A_98 : memref<128xi32, #tpu.memory_space<vmem>>) semaphore(%dma_start3A_103 : memref<!tpu.dma_semaphore, #tpu.memory_space<semaphore_mem>>) {add = true}
    }
    %sub3A_51 = arith.constant 4 : i32
    %sub3A_52 = arith.subi %sub3A_8, %sub3A_51 : i32
    %max3A_53 = arith.constant 0 : i32
    %max3A_54 = arith.maxsi %sub3A_52, %max3A_53 : i32
    %while3A_55 = arith.constant 0 : i32
    %while3A_56 = arith.subi %sub3A_8, %max3A_54 : i32
    %while3A_57 = arith.addi %max3A_54, %while3A_56 : i32
    %while3A_58 = arith.constant 1 : i32
    %while3A_59 = arith.divsi %while3A_56, %while3A_58 : i32
    %while3A_60 = arith.muli %while3A_59, %while3A_58 : i32
    %while3A_61 = arith.addi %max3A_54, %while3A_60 : i32
    %while3A_62 = arith.constant 1 : i32
    scf.for %while3A_69 = %max3A_54 to %while3A_61 step %while3A_62  : i32 {
      %rem3A = arith.constant 4 : i32
      %rem3A_70 = arith.remsi %while3A_69, %rem3A : i32
      %dma_wait3A_71 = arith.constant 0 : i32
      %dma_wait3A_72 = arith.constant 0 : i32
      %dma_wait3A_73 = arith.constant 0 : i32
      %dma_wait3A_74 = tpu.memref_slice %arg6[%rem3A_70, %dma_wait3A_72, %dma_wait3A_73] : memref<4x128x128xf32, #tpu.memory_space<vmem>> -> memref<1x128x128xf32, #tpu.memory_space<vmem>>
      %dma_wait3A_75 = tpu.memref_squeeze %dma_wait3A_74 : memref<1x128x128xf32, #tpu.memory_space<vmem>> -> memref<128x128xf32, #tpu.memory_space<vmem>>
      %dma_wait3A_76 = arith.constant 0 : i32
      %dma_wait3A_77 = tpu.memref_slice %arg7[%dma_wait3A_71, %dma_wait3A_76] : memref<25x128xi32, #tpu.memory_space<vmem>> -> memref<1x128xi32, #tpu.memory_space<vmem>>
      %dma_wait3A_78 = tpu.memref_squeeze %dma_wait3A_77 : memref<1x128xi32, #tpu.memory_space<vmem>> -> memref<128xi32, #tpu.memory_space<vmem>>
      %dma_wait3A_79 = arith.constant 0 : i32
      %dma_wait3A_80 = arith.constant 0 : i32
      %dma_wait3A_81 = tpu.memref_slice %arg8[%dma_wait3A_79, %dma_wait3A_80] : memref<512x128xf32, #tpu.memory_space<vmem_shared>> -> memref<512x128xf32, #tpu.memory_space<vmem_shared>>
      %dma_wait3A_82 = tpu.memref_slice %arg10[%rem3A_70] : memref<4x!tpu.dma_semaphore, #tpu.memory_space<semaphore_mem>> -> memref<1x!tpu.dma_semaphore, #tpu.memory_space<semaphore_mem>>
      %dma_wait3A_83 = tpu.memref_squeeze %dma_wait3A_82 : memref<1x!tpu.dma_semaphore, #tpu.memory_space<semaphore_mem>> -> memref<!tpu.dma_semaphore, #tpu.memory_space<semaphore_mem>>
      tpu.wait_indirect_dma semaphore(%dma_wait3A_83 : memref<!tpu.dma_semaphore, #tpu.memory_space<semaphore_mem>>) src(%dma_wait3A_75 : memref<128x128xf32, #tpu.memory_space<vmem>>) dst(%dma_wait3A_81 : memref<512x128xf32, #tpu.memory_space<vmem_shared>>)
    }
    %while3A_63 = arith.constant 1 : i32
    scf.for %while3A_69 = %while3A_61 to %while3A_57 step %while3A_63  : i32 {
      %rem3A = arith.constant 4 : i32
      %rem3A_70 = arith.remsi %while3A_69, %rem3A : i32
      %dma_wait3A_71 = arith.constant 0 : i32
      %dma_wait3A_72 = arith.constant 0 : i32
      %dma_wait3A_73 = arith.constant 0 : i32
      %dma_wait3A_74 = tpu.memref_slice %arg6[%rem3A_70, %dma_wait3A_72, %dma_wait3A_73] : memref<4x128x128xf32, #tpu.memory_space<vmem>> -> memref<1x128x128xf32, #tpu.memory_space<vmem>>
      %dma_wait3A_75 = tpu.memref_squeeze %dma_wait3A_74 : memref<1x128x128xf32, #tpu.memory_space<vmem>> -> memref<128x128xf32, #tpu.memory_space<vmem>>
      %dma_wait3A_76 = arith.constant 0 : i32
      %dma_wait3A_77 = tpu.memref_slice %arg7[%dma_wait3A_71, %dma_wait3A_76] : memref<25x128xi32, #tpu.memory_space<vmem>> -> memref<1x128xi32, #tpu.memory_space<vmem>>
      %dma_wait3A_78 = tpu.memref_squeeze %dma_wait3A_77 : memref<1x128xi32, #tpu.memory_space<vmem>> -> memref<128xi32, #tpu.memory_space<vmem>>
      %dma_wait3A_79 = arith.constant 0 : i32
      %dma_wait3A_80 = arith.constant 0 : i32
      %dma_wait3A_81 = tpu.memref_slice %arg8[%dma_wait3A_79, %dma_wait3A_80] : memref<512x128xf32, #tpu.memory_space<vmem_shared>> -> memref<512x128xf32, #tpu.memory_space<vmem_shared>>
      %dma_wait3A_82 = tpu.memref_slice %arg10[%rem3A_70] : memref<4x!tpu.dma_semaphore, #tpu.memory_space<semaphore_mem>> -> memref<1x!tpu.dma_semaphore, #tpu.memory_space<semaphore_mem>>
      %dma_wait3A_83 = tpu.memref_squeeze %dma_wait3A_82 : memref<1x!tpu.dma_semaphore, #tpu.memory_space<semaphore_mem>> -> memref<!tpu.dma_semaphore, #tpu.memory_space<semaphore_mem>>
      tpu.wait_indirect_dma semaphore(%dma_wait3A_83 : memref<!tpu.dma_semaphore, #tpu.memory_space<semaphore_mem>>) src(%dma_wait3A_75 : memref<128x128xf32, #tpu.memory_space<vmem>>) dst(%dma_wait3A_81 : memref<512x128xf32, #tpu.memory_space<vmem_shared>>)
    }
    %barrier3A_64 = arith.constant 0 : index
    tpu.barrier barrier_id(%barrier3A_64)
    %mul3A_65 = arith.constant 32 : i32
    %mul3A_66 = arith.muli %arg1, %mul3A_65 : i32
    %mul3A_67 = arith.constant 32 : i32
    %mul3A_68 = arith.muli %arg1, %mul3A_67 : i32
    "tpu.region"() ({
      %run_scoped3A_69 = tpu.sem_alloc : memref<!tpu.dma_semaphore, #tpu.memory_space<semaphore_mem>>
      %dma_start3A_70 = arith.constant 0 : i32
      %dma_start3A_71 = tpu.memref_slice %arg5[%arg0, %mul3A_68, %dma_start3A_70] : memref<2x512x128xf32, #tpu.memory_space<hbm>> -> memref<1x32x128xf32, #tpu.memory_space<hbm>>
      %dma_start3A_72 = tpu.memref_squeeze %dma_start3A_71 : memref<1x32x128xf32, #tpu.memory_space<hbm>> -> memref<32x128xf32, #tpu.memory_space<hbm>>
      %dma_start3A_73 = arith.constant 0 : i32
      %dma_start3A_74 = tpu.memref_slice %arg8[%mul3A_66, %dma_start3A_73] : memref<512x128xf32, #tpu.memory_space<vmem_shared>> -> memref<32x128xf32, #tpu.memory_space<vmem_shared>>
      tpu.enqueue_dma source(%dma_start3A_74 : memref<32x128xf32, #tpu.memory_space<vmem_shared>>) target(%dma_start3A_72 : memref<32x128xf32, #tpu.memory_space<hbm>>) target_semaphore(%run_scoped3A_69 : memref<!tpu.dma_semaphore, #tpu.memory_space<semaphore_mem>>)
      %dma_wait3A_75 = arith.constant 0 : i32
      %dma_wait3A_76 = tpu.memref_slice %arg5[%arg0, %mul3A_68, %dma_wait3A_75] : memref<2x512x128xf32, #tpu.memory_space<hbm>> -> memref<1x32x128xf32, #tpu.memory_space<hbm>>
      %dma_wait3A_77 = tpu.memref_squeeze %dma_wait3A_76 : memref<1x32x128xf32, #tpu.memory_space<hbm>> -> memref<32x128xf32, #tpu.memory_space<hbm>>
      %dma_wait3A_78 = arith.constant 0 : i32
      %dma_wait3A_79 = tpu.memref_slice %arg8[%mul3A_66, %dma_wait3A_78] : memref<512x128xf32, #tpu.memory_space<vmem_shared>> -> memref<32x128xf32, #tpu.memory_space<vmem_shared>>
      tpu.wait_dma2 semaphore(%run_scoped3A_69 : memref<!tpu.dma_semaphore, #tpu.memory_space<semaphore_mem>>) src(%dma_wait3A_79 : memref<32x128xf32, #tpu.memory_space<vmem_shared>>) dst(%dma_wait3A_77 : memref<32x128xf32, #tpu.memory_space<hbm>>)
      tpu.yield
    }) : () -> ()
    return
  }
}

module attributes {stable_mosaic.version = 14 : i64} {
  func.func @_mlp_body(%arg0: memref<2x512x128xf32, #tpu.memory_space<vmem>>, %arg1: memref<128x128xf32, #tpu.memory_space<vmem>>, %arg2: memref<1x128xf32, #tpu.memory_space<vmem>>, %arg3: memref<128x128xf32, #tpu.memory_space<vmem>>, %arg4: memref<1x128xf32, #tpu.memory_space<vmem>>, %arg5: memref<512x128xf32, #tpu.memory_space<vmem>>) attributes {dimension_semantics = [], scalar_prefetch = 0 : i64, scratch_operands = 0 : i64, tpu.core_type = #tpu.core_type<tc>} {
    %get3A = arith.constant 0 : index
    %get3A_0 = arith.constant 0 : index
    %get3A_1 = arith.constant 0 : index
    %get3A_2 = vector.load %arg0[%get3A, %get3A_0, %get3A_1] : memref<2x512x128xf32, #tpu.memory_space<vmem>>, vector<1x512x128xf32>
    %get3A_3 = vector.shape_cast %get3A_2 : vector<1x512x128xf32> to vector<512x128xf32>
    %get3A_4 = arith.constant 1 : index
    %get3A_5 = arith.constant 0 : index
    %get3A_6 = arith.constant 0 : index
    %get3A_7 = vector.load %arg0[%get3A_4, %get3A_5, %get3A_6] : memref<2x512x128xf32, #tpu.memory_space<vmem>>, vector<1x512x128xf32>
    %get3A_8 = vector.shape_cast %get3A_7 : vector<1x512x128xf32> to vector<512x128xf32>
    %add3A = arith.addf %get3A_3, %get3A_8 : vector<512x128xf32>
    %get3A_9 = arith.constant 0 : index
    %get3A_10 = arith.constant 0 : index
    %get3A_11 = vector.load %arg1[%get3A_9, %get3A_10] : memref<128x128xf32, #tpu.memory_space<vmem>>, vector<128x128xf32>
    %dot_general3A = arith.constant dense<0.000000e+00> : vector<512x128xf32>
    %dot_general3A_12 = tpu.matmul %add3A, %get3A_11, %dot_general3A {dimension_numbers = #tpu.dot_dimension_numbers<[1], [1], [0], [0], [0, 0, 1, 0], [], []>, transpose_lhs_hint = false} : vector<512x128xf32>, vector<128x128xf32>, vector<512x128xf32> -> vector<512x128xf32>
    %get3A_13 = arith.constant 0 : index
    %get3A_14 = arith.constant 0 : index
    %get3A_15 = vector.load %arg2[%get3A_13, %get3A_14] : memref<1x128xf32, #tpu.memory_space<vmem>>, vector<1x128xf32>
    %add3A_16 = vector.broadcast %get3A_15 : vector<1x128xf32> to vector<512x128xf32>
    %add3A_17 = arith.addf %dot_general3A_12, %add3A_16 : vector<512x128xf32>
    %max3A = arith.constant 0.000000e+00 : f32
    %max3A_18 = vector.broadcast %max3A : f32 to vector<512x128xf32>
    %max3A_19 = arith.maximumf %add3A_17, %max3A_18 : vector<512x128xf32>
    %get3A_20 = arith.constant 0 : index
    %get3A_21 = arith.constant 0 : index
    %get3A_22 = vector.load %arg3[%get3A_20, %get3A_21] : memref<128x128xf32, #tpu.memory_space<vmem>>, vector<128x128xf32>
    %dot_general3A_23 = arith.constant dense<0.000000e+00> : vector<512x128xf32>
    %dot_general3A_24 = tpu.matmul %max3A_19, %get3A_22, %dot_general3A_23 {dimension_numbers = #tpu.dot_dimension_numbers<[1], [1], [0], [0], [0, 0, 1, 0], [], []>, transpose_lhs_hint = false} : vector<512x128xf32>, vector<128x128xf32>, vector<512x128xf32> -> vector<512x128xf32>
    %get3A_25 = arith.constant 0 : index
    %get3A_26 = arith.constant 0 : index
    %get3A_27 = vector.load %arg4[%get3A_25, %get3A_26] : memref<1x128xf32, #tpu.memory_space<vmem>>, vector<1x128xf32>
    %add3A_28 = vector.broadcast %get3A_27 : vector<1x128xf32> to vector<512x128xf32>
    %add3A_29 = arith.addf %dot_general3A_24, %add3A_28 : vector<512x128xf32>
    %swap3A = arith.constant 0 : index
    %swap3A_30 = arith.constant 0 : index
    %swap3A_31 = vector.load %arg5[%swap3A, %swap3A_30] : memref<512x128xf32, #tpu.memory_space<vmem>>, vector<512x128xf32>
    tpu.vector_store %arg5[%swap3A, %swap3A_30], %add3A_29 {strides = array<i32>} : memref<512x128xf32, #tpu.memory_space<vmem>>, vector<512x128xf32>,
    return
  }
}

</mosaic_0001>

<sc_bundles>
// kernel: sc_segment_sum.3.cloned.1.call-start
scs
__scs_entry_jumppad:
0x0: {  	(pc) =	sbr.rel $0x88, $3  }
0x1: {  	(tag) =	ssettag $0x0;
	lr =	simm.s32 $0x1  }
0x2: {  	[smem:$0x3F9B] =	sst lr;
	_ =	strace $0xD0000000  }
0x3: {  	_ = 	snop  }
0x4: {  	_ = 	snop  }
0x5: {  	_ = 	snop  }
0x6: {  	_ = 	snop  }
0x7: {  	_ = 	snop  }
__scs_overlays_trampoline_lowered:
0x8: {  	[smem:$0x3FAA] =	sst s0  }
0x9: {  	[smem:$0x3FAB] =	sst s1  }
0xa: {  	[smem:$0x3FAC] =	sst s2  }
0xb: {  	[smem:$0x3FAD] =	sst s3  }
0xc: {  	[smem:$0x3FAE] =	sst s4  }
0xd: {  	[smem:$0x3FAF] =	sst s5  }
0xe: {  	[smem:$0x3FB0] =	sst s6  }
0xf: {  	[smem:$0x3FB1] =	sst s7  }
0x10: {  	[smem:$0x3FB2] =	sst s8  }
0x11: {  	[smem:$0x3FB3] =	sst s9;
	s0 =	simm.s32 @!p0 $0x0  }
0x12: {  	s1 =	sld [smem:$0x3F99];
	s0 =	simm.s32 @p0 $0x1  }
0x13: {  	[smem:$0x3FB4] =	sst s0;
	s0 =	simm.s32 @!p1 $0x0  }
0x14: {  	s2 =	sld [smem:$0x3F98];
	s0 =	simm.s32 @p1 $0x1  }
0x15: {  	[smem:$0x3FB5] =	sst s0;
	s0 =	simm.s32 @!p2 $0x0  }
0x16: {  	s3 =	sld [smem:$0x3FDB];
	s0 =	simm.s32 @p2 $0x1  }
0x17: {  	s4 =	simm.s32 $0x1BF5;
	[smem:$0x3FB7] =	sst s0  }
0x18: {  	s0 =	sld [smem:$0x3F9A];
	_ =	swait.ge [sflag:s4], $0x0  }
0x19: {  	s7 =	sld [smem:$0x3F9B]  }
0x1a: {  	s8 =	sadd.s32 $0xFFFFE003, lr  }
0x1b: {  	s9 =	sadd.s32 $0xFFFFFEF7, lr;
	s5 =	simm.s32 $0xFFFFFFFF;
	p2 =	slt.u32 s8, $0xFFFFF086  }
0x1c: {  	p1 =	slt.u32 s9, $0xF7A;
	s5 =	simm.s32 @!p2 $0x0  }
0x1d: {  	s5 =	simm.s32 @p1 $0x1;
	p0 =	seq.s32 s7, s2  }
0x1e: {  	s7 =	smul.u32 @!p0 $0xF7A, s2;
	p2 =	seq.s32 @!p0 s5, $0x0  }
0x1f: {  	s9 =	smul.u32 $0xF7A, s1;
	s8 =	simm.s32 @!p0 $0x1BF5;
	p2 =	por !p2, p0  }
0x20: {  	[sflag:s8] =	ssyncset.s32 @!p0 $0xFFFFF086;
	s6 =	sadd.s32 @!p0 s3, s7;
	s7 =	simm.s32 @!p0 $0x108  }
0x21: {  	s3 =	sadd.s32 s3, s9;
	s6 =	sadd.s32 @!p0 $0x88, s6;
	s7 =	simm.s32 @p2 $0x1082  }
0x22: {  	[simem:s7], [sflag:s8] =	dma.local @!p0 [hbm:s6], $0xF7A  }
0x23: {  	s9 =	sor.u32 $0xD0000000, s2;
	s6 =	simm.s32 $0x108;
	_ =	swait.ge @!p0 [sflag:s8], $0x0  }
0x24: {  	s3 =	sadd.s32 $0x88, s3;
	s6 =	simm.s32 @!p1 $0x1082;
	[sflag:s4] =	ssyncset.s32 $0xFFFFF086  }
0x25: {  	[simem:s6], [sflag:s4] =	dma.local [hbm:s3], $0xF7A  }
0x26: {  	[smem:$0x3F9B] =	sst s1;
	(tag) =	ssettag s2;
	_ =	strace s9  }
0x27: {  	s1 =	sld [smem:$0x3FAB]  }
0x28: {  	s2 =	sld [smem:$0x3FAC]  }
0x29: {  	s4 =	sld [smem:$0x3FAE]  }
0x2a: {  	p0 =	seq.s32 s5, $0x0;
	s5 =	sld [smem:$0x3FAF]  }
0x2b: {  	s6 =	sld [smem:$0x3FB0]  }
0x2c: {  	s7 =	sld [smem:$0x3FB1]  }
0x2d: {  	s3 =	simm.s32 $0x108;
	s8 =	sld [smem:$0x3FB2]  }
0x2e: {  	s3 =	simm.s32 @!p0 $0x1082;
	s9 =	sld [smem:$0x3FB3]  }
0x2f: {  	lr =	sadd.s32 s0, s3;
	s0 =	sld [smem:$0x3FAA]  }
0x30: {  	s3 =	sld [smem:$0x3FAD]  }
0x31: {  	[smem:$0x3FB6] =	sst s10  }
0x32: {  	s10 =	sld [smem:$0x3FB4];
	_ =	sdelay $0x3  }
0x33: {  	p0 =	seq.s32 s10, $0x1;
	s10 =	sld [smem:$0x3FB6];
	_ =	sdelay $0x3  }
0x34: {  	[smem:$0x3FB6] =	sst s10  }
0x35: {  	s10 =	sld [smem:$0x3FB5];
	_ =	sdelay $0x3  }
0x36: {  	p1 =	seq.s32 s10, $0x1;
	s10 =	sld [smem:$0x3FB6];
	_ =	sdelay $0x3  }
0x37: {  	[smem:$0x3FB6] =	sst s10  }
0x38: {  	s10 =	sld [smem:$0x3FB7]  }
0x39: {  	_ = 	snop;
	(pc) =	sbr.ind lr, $3  }
0x3a: {  	_ = 	snop  }
0x3b: {  	_ = 	snop  }
0x3c: {  	p2 =	seq.s32 s10, $0x1;
	s10 =	sld [smem:$0x3FB6]  }
0x3d: {  	_ =	shalt  }
0x3e: {  	_ =	shalt  }
0x3f: {  	_ =	shalt  }
0x40: {  	_ =	shalt  }
0x41: {  	_ =	shalt  }
0x42: {  	_ =	shalt  }
0x43: {  	_ =	shalt  }
0x44: {  	_ =	shalt  }
0x45: {  	_ =	shalt  }
0x46: {  	_ =	shalt  }
0x47: {  	_ =	shalt  }
0x48: {  	_ =	shalt  }
0x49: {  	_ =	shalt  }
0x4a: {  	_ =	shalt  }
0x4b: {  	_ =	shalt  }
0x4c: {  	_ =	shalt  }
0x4d: {  	_ =	shalt  }
0x4e: {  	_ =	shalt  }
0x4f: {  	_ =	shalt  }
0x50: {  	_ =	shalt  }
0x51: {  	_ =	shalt  }
0x52: {  	_ =	shalt  }
0x53: {  	_ =	shalt  }
0x54: {  	_ =	shalt  }
0x55: {  	_ =	shalt  }
0x56: {  	_ =	shalt  }
0x57: {  	_ =	shalt  }
0x58: {  	_ =	shalt  }
0x59: {  	_ =	shalt  }
0x5a: {  	_ =	shalt  }
0x5b: {  	_ =	shalt  }
0x5c: {  	_ =	shalt  }
0x5d: {  	_ =	shalt  }
0x5e: {  	_ =	shalt  }
0x5f: {  	_ =	shalt  }
0x60: {  	_ =	shalt  }
0x61: {  	_ =	shalt  }
0x62: {  	_ =	shalt  }
0x63: {  	_ =	shalt  }
0x64: {  	_ =	shalt  }
0x65: {  	_ =	shalt  }
0x66: {  	_ =	shalt  }
0x67: {  	_ =	shalt  }
0x68: {  	_ =	shalt  }
0x69: {  	_ =	shalt  }
0x6a: {  	_ =	shalt  }
0x6b: {  	_ =	shalt  }
0x6c: {  	_ =	shalt  }
0x6d: {  	_ =	shalt  }
0x6e: {  	_ =	shalt  }
0x6f: {  	_ =	shalt  }
0x70: {  	_ =	shalt  }
0x71: {  	_ =	shalt  }
0x72: {  	_ =	shalt  }
0x73: {  	_ =	shalt  }
0x74: {  	_ =	shalt  }
0x75: {  	_ =	shalt  }
0x76: {  	_ =	shalt  }
0x77: {  	_ =	shalt  }
0x78: {  	_ =	shalt  }
0x79: {  	_ =	shalt  }
0x7a: {  	_ =	shalt  }
0x7b: {  	_ =	shalt  }
0x7c: {  	_ =	shalt  }
0x7d: {  	_ =	shalt  }
0x7e: {  	_ =	shalt  }
0x7f: {  	_ =	shalt  }
0x80: {  	_ =	shalt  }
0x81: {  	_ =	shalt  }
0x82: {  	_ =	shalt  }
0x83: {  	_ =	shalt  }
0x84: {  	_ =	shalt  }
0x85: {  	_ =	shalt  }
0x86: {  	_ =	shalt  }
0x87: {  	_ =	shalt  }
.Lfunc_end0:
.L_simem_size_0:
called_computation_lowered:
.L_overlay_start_0:
0x88: {  	s2 =	sld [smem:$0x3FD9]  }
0x89: {  	s3 =	sld [smem:$0x3FFE];
	_ =	sdelay $0x1  }
0x8a: {  	s1 =	srdreg.scid  }
0x8b: {  	s0 =	sand.u32 $0x1, s1  }
0x8c: {  	s17 =	sshll.u32 s0, $0xA;
	s2 =	sadd.s32 s3, s2  }
0x8d: {  	s2 =	sadd.s32 s2, s17  }
0x8e: {  	[smem:$0x3FC2] =	sst s2  }
0x8f: {  	_ = 	snop  }
0x90: {  	s2 =	sld [smem:$0x3FC9]  }
0x91: {  	s18 =	sld [smem:$0x3FD0];
	(tm) =	ssettm $0x1  }
0x92: {  	s4 =	sld [smem:$0x3FFB];
	_ =	sdelay $0x3  }
0x93: {  	_ =	strace s4  }
0x94: {  	s4 =	sld [smem:$0x3FFC];
	_ =	sdelay $0x3  }
0x95: {  	_ =	strace s4  }
0x96: {  	s4 =	sld [smem:$0x3FFD];
	_ =	sdelay $0x3  }
0x97: {  	_ =	strace s4  }
0x98: {  	_ =	strace $0x8FFFFFFF  }
0x99: {  	s19 =	sld [smem:$0x3FDB];
	_ =	sdelay $0x1  }
0x9a: {  	s5 =	simm.s32 $_scs_section_size  }
0x9b: {  	s6 =	simm.s32 $_size__tile_overlayer_lowered;
	s7 =	simm.s32 $_tile_overlayer_lowered  }
0x9c: {  	s22 =	simm.s32 $0x1BFF;
	s21 =	sshll.u32 s7, $0x1;
	s4 =	sadd.s32 s5, s19  }
0x9d: {  	s8 =	simm.s32 $0x0;
	s20 =	sshll.u32 s6, $0x1;
	s6 =	sadd.s32 s21, s4  }
0x9e: {  	[timem:s8], [sflag:s22] =	dma.local [hbm:s6], s20  }
0x9f: {  	_ =	swait.ge [sflag:s22], s20  }
0xa0: {  	s5 =	ssub.s32 $0x0, s20;
	[sflag:s22] =	ssyncset.done $0x0  }
0xa1: {  	[sflag:s22] =	ssyncadd.s32 s5;
	_ =	sdelay $0x1  }
0xa2: {  	s23 =	simm.s32 $0x1B8B  }
0xa3: {  	_ =	swait.ge [sflag:s23], $0x1  }
0xa4: {  	[sflag:s23] =	ssyncset.done $0x0  }
0xa5: {  	s25 =	simm.s32 $0x1B8E;
	s24 =	sld [smem:$0x3FFE];
	[sflag:s23] =	ssyncadd.s32 $0xFFFFFFFF  }
0xa6: {  	s26 =	simm.s32 $execute0_lowered;
	[smem:$0x3FD2] =	sst s25  }
0xa7: {  	s6 =	sshll.u32 s26, $0x1;
	_ =	strace $0x80000046;
	[dreg:$0x1] =	wrdreg $0xFFFFFFFF  }
0xa8: {  	s28 =	simm.s32 $_size_execute0_lowered;
	s4 =	sadd.s32 s4, s6;
	[dreg:$0x0] =	wrdreg $0x0  }
0xa9: {  	s6 =	sshll.u32 s28, $0x1;
	[dreg:$0x2] =	wrdreg s4  }
0xaa: {  	[dreg:$0x3] =	wrdreg s6  }
0xab: {  	[dreg:$0x4] =	wrdreg $0xC0  }
0xac: {  	_ =	task [dreg:s8], $0x5FFFF  }
0xad: {  	[dreg:$0x1] =	wrdreg $0xFFFFFFFF  }
0xae: {  	[dreg:$0x0] =	wrdreg $0x60  }
0xaf: {  	[dreg:$0x2] =	wrdreg s2  }
0xb0: {  	[dreg:$0x3] =	wrdreg s24  }
0xb1: {  	[dreg:$0x4] =	wrdreg s18  }
0xb2: {  	[dreg:$0x5] =	wrdreg $0x110000  }
0xb3: {  	[dreg:$0x6] =	wrdreg $0x9  }
0xb4: {  	_ =	task.clear_ibuf [dreg:s8], $0x7FFFF;
	_ =	strace $0x90000046  }
0xb5: {  	s29 =	simm.s32 $0x9;
	_ =	strace $0x80000048  }
0xb6: {  	_ =	swait.ge [sflag:s29], $0x1  }
0xb7: {  	[sflag:s29] =	ssyncadd.s32 $0xFFFFFFFF  }
0xb8: {  	_ =	strace $0x90000048  }
0xb9: {  	_ =	sfence  }
0xba: {  	s30 =	sld [smem:$0x0];
	_ =	sdelay $0x2  }
0xbb: {  	s31 =	sshll.u32 s1, $0xD;
	s1 =	sshrl.u32 s1, $0x2  }
0xbc: {  	s3 =	sand.u32 $0x4000, s31;
	s1 =	sadd.s32 s1, s30  }
0xbd: {  	s0 =	sor.u32 s3, s0;
	s1 =	sshll.u32 s1, $0x11  }
0xbe: {  	s0 =	sor.u32 s1, s0  }
0xbf: {  	s0 =	sadd.s32 $0x8F2B, s0  }
0xc0: {  	[sflag:s0] =	ssyncadd.remote.s32 $0x1  }
0xc1: {  	_ =	sfence.sel $0xFFFF  }
0xc2: {  	[dreg:$0x0] =	wrdreg $0xFFFFFFFF;
	(pc) =	sbr.abs _section_cstart, $3  }
0xc3: {  	[dreg:$0x1] =	wrdreg $0xFFFFFFFF  }
0xc4: {  	_ =	task.clear_ibuf [dreg:s8], $0x2FFFF;
	_ =	strace $0x9FFFFFFF  }
0xc5: {  	(tm) =	ssettm $0x7FFFFFFF  }
tec
execute0_lowered:
.L_overlay_start_1:
0x0: {  	(tag) =	ssettag $0x1  }
0x1: {  	s1 =	rddreg [dreg:$0x0]  }
0x2: {  	s0 =	rddreg [dreg:$0x1]  }
0x3: {  	s3 =	rddreg [dreg:$0x3];
	s2 =	srdreg.scid  }
0x4: {  	s5 =	simm.s32 $0x0;
	s12 =	stileid.u32;
	s28 =	simm.s32 $0x9  }
0x5: {  	s30 =	simm.s32 $0x80;
	s31 =	simm.s32 $0x0;
	s2 =	sand.u32 $0x1, s2  }
0x6: {  	[smem:$0x7FF] =	sst s5;
	s11 =	sshll.u32 s12, $0x9;
	s17 =	sshll.u32 s12, $0xC  }
0x7: {  	s22 =	sadd.s32 $0x186800, s1;
	s20 =	smul.u32 $0x19, s12;
	s4 =	sshll.u32 s2, $0x4  }
0x8: {  	_ =	strace $0x80000047;
	s7 =	ssub.s32 $0x2, s2;
	s4 =	sor.u32 s12, s4  }
0x9: {  	[dreg:$0x7] =	wrdreg s22;
	s10 =	sshrl.u32 s7, $0x1;
	s6 =	sshll.u32 s4, $0x9  }
0xa: {  	s8 =	smul.u32 $0x19, s4;
	s16 =	ssub.s32 s7, s10;
	p0 =	seq.s32 s4, $0x1F  }
0xb: {  	s15 =	smul.u32 $0x64000, s4;
	p1 =	sne.s32 s4, $0x1F;
	s9 =	sadd.s32 s6, s0  }
0xc: {  	s0 =	sadd.s32 s11, s0;
	s6 =	simm.s32 $0x1;
	s11 =	smul.u32 $0xC800, s4  }
0xd: {  	s16 =	smax.u32 s16, $0x1;
	s13 =	ssub.s32 $0x30E, s8;
	s8 =	simm.s32 $0x1  }
0xe: {  	s9 =	sadd.s32 $0xE00, s9;
	s18 =	sshrl.u32 s15, $0x3;
	s14 =	smin.u32 s13, $0x19  }
0xf: {  	s8 =	simm.s32 @!p0 $0x0;
	[dreg:$0x5] =	wrdreg s9;
	s9 =	sadd.s32 s17, s3  }
0x10: {  	s19 =	sadd.s32 s1, s11;
	s13 =	sshll.u32 s2, $0xD;
	s2 =	smul.u32 $0x190, s2  }
0x11: {  	s7 =	ssub.s32 s14, s8;
	s8 =	sadd.s32 s1, s18;
	s0 =	sadd.s32 s13, s0  }
0x12: {  	s14 =	sadd.s32 $0x183800, s1;
	s13 =	smov.u32 s19;
	s17 =	sadd.s32 $0x1800, s19  }
0x13: {  	s21 =	sadd.s32 $0x800, s8;
	s8 =	sadd.s32 $0x1000, s8;
	s15 =	sadd.s32 $0x4E00, s0  }
0x14: {  	s23 =	sadd.s32 $0x1, s7;
	s24 =	sand.u32 $0x3, s7;
	s26 =	sadd.s32 $0xFFFFFFFF, s7  }
0x15: {  	s2 =	sadd.s32 s20, s2;
	p2 =	slt.u32 s7, $0x4;
	[dreg:$0x6] =	wrdreg s21  }
0x16: {  	[dreg:$0x8] =	wrdreg s8;
	s0 =	sand.u32 $0x3, s23;
	s18 =	sadd.s32 $0x5, s24  }
0x17: {  	s25 =	sxor.u32 $0x2, s24;
	s29 =	sand.u32 $0x3, s26;
	s2 =	sshll.u32 s2, $0xB  }
0x18: {  	s23 =	simm.s32 $0x10000;
	s24 =	simm.s32 $0xA;
	s19 =	sadd.s32 $0x5, s0  }
0x19: {  	s20 =	sadd.s32 $0x5, s25;
	s21 =	sadd.s32 $0x5, s29;
	s22 =	sadd.s32 $0x2000, s2  }
.LBB2_1:
0x1a: {  	s0 =	rddreg [dreg:$0x5]  }
0x1b: {  	[tilespmem:s23], [sflag:$0x9] =	stream.linear.gather [hbm4b:s0+s5], $0xC80, $0x38;
	[tilespmem:$0x12000] =	vst v63  }
0x1c: {  	s10 =	rddreg [dreg:$0x2]  }
0x1d: {  	[tilespmem:s5], [sflag:$0xA] =	stream.linear.gather [hbm4b:s10+s5], $0x4000, $0x38;
	[tilespmem:$0x12000] =	vst v63  }
0x1e: {  	_ =	swait.ge [sflag:s24], $0x4000  }
0x1f: {  	[sflag:s24] =	ssyncset.done $0x0  }
0x20: {  	[sflag:s24] =	ssyncadd.s32 $0xFFFFC000  }
0x21: {  	[spmem:s9] =	stream.linear.scatter [tilespmem:s5], [sflag:$0xA], $0x1000, $0x38;
	[tilespmem:$0x12000] =	vst v63  }
0x22: {  	_ =	swait.ge [sflag:s24], $0x1000  }
0x23: {  	[sflag:s24] =	ssyncset.done $0x0  }
0x24: {  	s0 =	simm.s32 @!p0 $0x0;
	[sflag:s24] =	ssyncadd.s32 $0xFFFFF000  }
0x25: {  	[tilespmem:s0], [sflag:$0x1] =	stream.linear.gather @!p0 [hbm4b:s13+s0], $0x4000, $0x38;
	[tilespmem:$0x12000] =	vst v63  }
0x26: {  	s2 =	simm.s32 $0x4000;
	s11 =	rddreg [dreg:$0x6]  }
0x27: {  	[tilespmem:s2], [sflag:$0x2] =	stream.linear.gather [hbm4b:s11+s5], $0x4000, $0x38;
	[tilespmem:$0x12000] =	vst v63  }
0x28: {  	s25 =	simm.s32 $0x8000;
	s12 =	rddreg [dreg:$0x8]  }
0x29: {  	[tilespmem:s25], [sflag:$0x3] =	stream.linear.gather [hbm4b:s12+s5], $0x4000, $0x38;
	[tilespmem:$0x12000] =	vst v63  }
0x2a: {  	_ =	swait.ge [sflag:s28], $0xC80  }
0x2b: {  	[sflag:s28] =	ssyncset.done $0x0  }
0x2c: {  	[sflag:s28] =	ssyncadd.s32 $0xFFFFF380  }
0x2d: {  	[bflag:$0x0] =	sbarrier.arrive $0xFFFF  }
0x2e: {  	s0 =	simm.s32 @!p1 $0x0;
	s2 =	rddreg [dreg:$0x7]  }
0x2f: {  	[tilespmem:s0], [sflag:$0xA] =	stream.linear.gather @!p1 [hbm4b:s2+s0], $0x1000, $0x38;
	[tilespmem:$0x12000] =	vst v63  }
0x30: {  	s2 =	simm.s32 @!p1 $0xA  }
0x31: {  	_ =	swait.ge @!p1 [sflag:s2], $0x1000  }
0x32: {  	[sflag:s2] =	ssyncset.done @!p1 $0x0  }
0x33: {  	s4 =	simm.s32 @!p1 $0x80;
	s8 =	simm.s32 @!p1 $0x10300;
	[sflag:s2] =	ssyncadd.s32 @!p1 $0xFFFFF000  }
0x34: {  	[spmem:s3] =	stream.indirect.scatter.add.f32 @!p1 [tilespmem:s0], [sflag:$0xA], $0x80, s8, s4, $0xb8;
	[tilespmem:$0x12000] =	vst v63  }
0x35: {  	_ =	swait.ge @!p1 [sflag:s2], $0x4000  }
0x36: {  	[sflag:s2] =	ssyncset.done @!p1 $0x0  }
0x37: {  	[sflag:s2] =	ssyncadd.s32 @!p1 $0xFFFFC000  }
0x38: {  	[tilespmem:s0], [sflag:$0x1] =	stream.linear.gather @!p1 [hbm4b:s14+s0], $0x4000, $0x38;
	[tilespmem:$0x12000] =	vst v63  }
0x39: {  	s26 =	simm.s32 $0xC000  }
0x3a: {  	[tilespmem:s26], [sflag:$0x4] =	stream.linear.gather [hbm4b:s17+s5], $0x4000, $0x38;
	[tilespmem:$0x12000] =	vst v63  }
0x3b: {  	p3 =	sle.u32 s7, $0x4;
	s0 =	simm.s32 $0x4;
	_ =	swait.ge [sflag:s6], $0x4000  }
0x3c: {  	s2 =	sand.u32 @!p3 $0x3, s0;
	[sflag:s6] =	ssyncset.done $0x0  }
0x3d: {  	s8 =	sadd.s32 @!p3 $0x5, s2;
	[sflag:s6] =	ssyncadd.s32 $0xFFFFC000  }
0x3e: {  	[spmem:s3] =	stream.indirect.scatter.add.f32 [tilespmem:s5], [sflag:$0x5], $0x80, s23, s30, $0xb8;
	[tilespmem:$0x12000] =	vst v63  }
0x3f: {  	s4 =	sand.u32 @!p3 $0x1FFFF800, s22;
	_ =	swait.ge @!p3 [sflag:s8], $0x4000  }
0x40: {  	s29 =	simm.s32 @!p3 $0x0;
	s4 =	sadd.s32 @!p3 s1, s4;
	[sflag:s8] =	ssyncset.done @!p3 $0x0  }
0x41: {  	s25 =	sshll.u32 @!p3 s2, $0xE;
	s2 =	sadd.s32 @!p3 $0x1, s2;
	[sflag:s8] =	ssyncadd.s32 @!p3 $0xFFFFC000  }
0x42: {  	[tilespmem:s25], [sflag:s2] =	stream.linear.gather @!p3 [hbm4b:s4+s29], $0x4000, $0x38;
	[tilespmem:$0x12000] =	vst v63  }
0x43: {  	p3 =	sgt.u32 s7, $0x2  }
.Ltmp0:
0x44: {  	s26 =	simm.s32 $0x1;
	(pc) =	sbr.rel @!p3 .LBB2_3-.Ltmp0, $4  }
0x45: {  	s11 =	sand.u32 $0x3, s26  }
0x46: {  	s0 =	simm.s32 $0x10080;
	s26 =	sadd.s32 $0x1, s11;
	s8 =	sadd.s32 $0x5, s11  }
0x47: {  	s2 =	sadd.s32 $0x800, s22;
	s4 =	simm.s32 $0x5;
	_ =	swait.ge [sflag:s26], $0x4000  }
0x48: {  	s25 =	simm.s32 $0x10100;
	s29 =	sshll.u32 s11, $0xE;
	[sflag:s26] =	ssyncset.done $0x0  }
.LBB2_2:
0x49: {  	p4 =	sge.u32 s4, s7;
	s11 =	sadd.s32 $0xFFFFFFFE, s4;
	[sflag:s26] =	ssyncadd.s32 $0xFFFFC000  }
0x4a: {  	[spmem:s3] =	stream.indirect.scatter.add.f32 [tilespmem:s29], [sflag:s8], $0x80, s0, s30, $0xb8;
	[tilespmem:$0x12000] =	vst v63  }
0x4b: {  	s0 =	sand.u32 @!p4 $0x3, s4;
	s8 =	sand.u32 @!p4 $0x1FFFF800, s2;
	p3 =	slt.u32 s11, s7  }
0x4c: {  	s11 =	sadd.s32 @!p4 $0x5, s0;
	s26 =	sshll.u32 @!p4 s0, $0xE;
	s29 =	sadd.s32 @!p4 $0x1, s0  }
0x4d: {  	s8 =	sadd.s32 @!p4 s1, s8;
	s0 =	smov.u32 s25;
	_ =	swait.ge @!p4 [sflag:s11], $0x4000  }
0x4e: {  	s12 =	sadd.s32 $0xFFFFFFFD, s4;
	s10 =	simm.s32 @!p4 $0x0;
	[sflag:s11] =	ssyncset.done @!p4 $0x0  }
.Ltmp1:
0x4f: {  	s12 =	sand.u32 $0x3, s12;
	[sflag:s11] =	ssyncadd.s32 @!p4 $0xFFFFC000;
	(pc) =	sbr.rel @p3 .LBB2_2-.Ltmp1, $4  }
0x50: {  	[tilespmem:s26], [sflag:s29] =	stream.linear.gather @!p4 [hbm4b:s8+s10], $0x4000, $0x38;
	[tilespmem:$0x12000] =	vst v63  }
0x51: {  	s2 =	sadd.s32 $0x800, s2;
	s26 =	sadd.s32 $0x1, s12  }
0x52: {  	s4 =	sadd.s32 $0x1, s4;
	s25 =	sadd.s32 $0x80, s25;
	_ =	swait.ge [sflag:s26], $0x4000  }
0x53: {  	s29 =	sshll.u32 s12, $0xE;
	s8 =	sadd.s32 $0x5, s12;
	[sflag:s26] =	ssyncset.done $0x0  }
.LBB2_3:
0x54: {  	[sflag:s26] =	ssyncadd.s32 $0xFFFFC000  }
0x55: {  	[spmem:s3] =	stream.indirect.scatter.add.f32 [tilespmem:s29], [sflag:s8], $0x80, s0, s30, $0xb8;
	[tilespmem:$0x12000] =	vst v63  }
0x56: {  	_ =	swait.ge @!p2 [sflag:s18], $0x4000  }
0x57: {  	[sflag:s18] =	ssyncset.done @!p2 $0x0  }
0x58: {  	[sflag:s18] =	ssyncadd.s32 @!p2 $0xFFFFC000  }
0x59: {  	_ =	swait.ge @!p2 [sflag:s19], $0x4000  }
0x5a: {  	[sflag:s19] =	ssyncset.done @!p2 $0x0  }
0x5b: {  	[sflag:s19] =	ssyncadd.s32 @!p2 $0xFFFFC000  }
0x5c: {  	_ =	swait.ge @!p2 [sflag:s20], $0x4000  }
0x5d: {  	[sflag:s20] =	ssyncset.done @!p2 $0x0  }
0x5e: {  	[sflag:s20] =	ssyncadd.s32 @!p2 $0xFFFFC000  }
0x5f: {  	s2 =	sshrl.u32 s9, $0x3;
	_ =	swait.ge @!p2 [sflag:s21], $0x4000  }
0x60: {  	s31 =	sadd.s32 $0x1, s31;
	s29 =	stileid.u32;
	[sflag:s21] =	ssyncset.done @!p2 $0x0  }
0x61: {  	p3 =	sne.s32 s31, s16;
	s0 =	sshll.u32 s29, $0x6;
	[sflag:s21] =	ssyncadd.s32 @!p2 $0xFFFFC000  }
.Ltmp2:
0x62: {  	s0 =	sor.u32 $0x1C0A, s0;
	[bflag:$0x0] =	sbarrier.arrive $0xFFFF;
	(pc) =	sbr.rel @p3 .LBB2_1-.Ltmp2, $4  }
0x63: {  	[hbm:s15], [sflag:s0] =	dma.local [spmem:s2], $0x200  }
0x64: {  	_ =	swait.ge [sflag:s24], $0x200  }
0x65: {  	[sflag:s24] =	ssyncset.done $0x0  }
0x66: {  	[sflag:s24] =	ssyncadd.s32 $0xFFFFFE00  }
0x67: {  	_ =	sfence.sel $0x180000  }
0x68: {  	[bflag:$0x0] =	sbarrier.arrive $0xFFFF  }
0x69: {  	_ =	strace $0x90000047  }
0x6a: {  	s0 =	stileid.u32;
	[bflag:$0x2] =	sbarrier.arrive $0xFFFF  }
0x6b: {  	p0 =	sne.s32 s0, $0x0;
	s0 =	rddreg [dreg:$0x4]  }
0x6c: {  	s0 =	sadd.s32 @!p0 $0x100000, s0  }
0x6d: {  	[sflag:s0] =	ssyncadd.tile.s32 @!p0 $0x1;
	_ =	shalt  }
.Lfunc_end2:
_tile_overlayer_lowered:
.L_overlay_start_2:
0x6e: {  	(tag) =	ssettag $0x2  }
0x6f: {  	s0 =	rddreg [dreg:$0x0];
	s2 =	stileid.u32  }
0x70: {  	s1 =	rddreg [dreg:$0x1];
	p0 =	sne.s32 s2, $0x0  }
0x71: {  	s3 =	rddreg [dreg:$0x2];
	[bflag:$0x3] =	sbarrier.arrive $0xFFFF;
	s2 =	simm.s32 @!p0 $0x1C0A  }
0x72: {  	[timem:s3], [sflag:s2] =	dma.local @!p0 [hbm:s0], s1  }
0x73: {  	s0 =	simm.s32 @!p0 $0xA  }
0x74: {  	_ =	swait.ge @!p0 [sflag:s0], s1  }
0x75: {  	s1 =	ssub.s32 @!p0 $0x0, s1;
	[sflag:s0] =	ssyncset.done @!p0 $0x0  }
0x76: {  	[sflag:s0] =	ssyncadd.s32 @!p0 s1  }
0x77: {  	[bflag:$0x3] =	sbarrier.arrive $0xFFFF  }
0x78: {  	_ =	shalt  }

</sc_bundles>
